<compile_context>
chip_gen: v7x
topology: tpu7x:2x2x1
jax: 0.10.2.dev20260603
libtpu: 0.0.44.dev20260713+nightly
codegen_flags: <defaults>
</compile_context>

<pallas_src>
import functools

import jax
import jax.numpy as jnp
from jax import lax
from jax.experimental import pallas as pl
from jax.experimental.pallas import tpu as pltpu
from jax.experimental.pallas import tpu_sc as plsc

E = 8
D = 1024
F = 2048
T = 2048

BM = 256
NB = 24
NPAD = NB * BM
FC = 512
J = F // FC

NW = 32
DP = 128
DSUB = 32
CT = 64
CSUB = 32



def _router_body(x_ref, gw_ref, pos0_ref, pos1_ref, ws_ref,
                 be_ref, nb_ref):
    x = x_ref[...]
    logits = lax.dot_general(x, gw_ref[...], (((1,), (1,)), ((), ())),
                             preferred_element_type=jnp.float32)
    m = jnp.max(logits, axis=-1, keepdims=True)
    ex = jnp.exp(logits - m)
    probs = ex / jnp.sum(ex, axis=-1, keepdims=True)

    iota_e = lax.broadcasted_iota(jnp.int32, (T, E), 1)
    p0 = jnp.max(probs, axis=-1, keepdims=True)
    i0 = jnp.min(jnp.where(probs == p0, iota_e, E), axis=-1, keepdims=True)
    masked = jnp.where(iota_e == i0, -1.0, probs)
    p1 = jnp.max(masked, axis=-1, keepdims=True)
    i1 = jnp.min(jnp.where(masked == p1, iota_e, E), axis=-1, keepdims=True)
    s = p0 + p1
    w0 = p0 / s
    w1 = p1 / s

    oh0 = (iota_e == i0).astype(jnp.float32)
    oh1 = (iota_e == i1).astype(jnp.float32)

    rr = lax.broadcasted_iota(jnp.int32, (T, T), 0)
    cc = lax.broadcasted_iota(jnp.int32, (T, T), 1)
    ltri = (cc < rr).astype(jnp.float32)
    s0 = lax.dot_general(ltri, oh0, (((1,), (0,)), ((), ())),
                         preferred_element_type=jnp.float32)
    s1 = lax.dot_general(ltri, oh1, (((1,), (0,)), ((), ())),
                         preferred_element_type=jnp.float32)

    c0_row = jnp.sum(oh0, axis=0, keepdims=True)
    c1_row = jnp.sum(oh1, axis=0, keepdims=True)
    c_row = c0_row + c1_row
    blocks_row = jnp.floor((c_row + (BM - 1)) * (1.0 / BM))

    ia = lax.broadcasted_iota(jnp.int32, (E, E), 0)
    ib = lax.broadcasted_iota(jnp.int32, (E, E), 1)
    u8 = (ia < ib).astype(jnp.float32)
    po_row = BM * lax.dot_general(blocks_row, u8, (((1,), (0,)), ((), ())),
                                  preferred_element_type=jnp.float32)

    r0 = jnp.sum(s0 * oh0, axis=1, keepdims=True)
    r1 = jnp.sum((s1 + c0_row) * oh1, axis=1, keepdims=True)
    pos0 = jnp.sum(po_row * oh0, axis=1, keepdims=True) + r0
    pos1 = jnp.sum(po_row * oh1, axis=1, keepdims=True) + r1
    pos0i = pos0.astype(jnp.int32)
    pos1i = pos1.astype(jnp.int32)
    pos0_ref[...] = pos0i
    pos1_ref[...] = pos1i

    wchunks = []
    CW = 1024
    for cw in range(NPAD // CW):
        iota_c = lax.broadcasted_iota(jnp.int32, (T, CW), 1) + (cw * CW)
        m0 = (pos0i == iota_c).astype(jnp.float32)
        m1 = (pos1i == iota_c).astype(jnp.float32)
        wc = lax.dot_general(m0, w0, (((0,), (0,)), ((), ())),
                             preferred_element_type=jnp.float32)
        wc = wc + lax.dot_general(m1, w1, (((0,), (0,)), ((), ())),
                                  preferred_element_type=jnp.float32)
        wchunks.append(wc)
    ws_ref[...] = jnp.concatenate(wchunks, axis=0)

    ones_col = jnp.ones((T, 1), jnp.float32)
    c_col = lax.dot_general(oh0 + oh1, ones_col, (((0,), (0,)), ((), ())),
                            preferred_element_type=jnp.float32)
    blocks_col = jnp.floor((c_col + (BM - 1)) * (1.0 / BM))
    l8 = (ib < ia).astype(jnp.float32)
    cb_col = lax.dot_general(l8, blocks_col, (((1,), (0,)), ((), ())),
                             preferred_element_type=jnp.float32)
    fin_col = cb_col + blocks_col

    iota_b = lax.broadcasted_iota(jnp.int32, (E, NB), 1).astype(jnp.float32)
    raw = jnp.sum((iota_b >= fin_col).astype(jnp.float32),
                  axis=0, keepdims=True)
    iota8_row = lax.broadcasted_iota(jnp.int32, (1, E), 1).astype(jnp.float32)
    la = jnp.max(jnp.where(blocks_row > 0, iota8_row, 0.0),
                 axis=1, keepdims=True)
    be = jnp.where(raw >= E, la, raw)
    be_ref[...] = be.astype(jnp.int32)
    nb_ref[...] = jnp.sum(blocks_row, axis=1, keepdims=True).astype(jnp.int32)



def _dispatch_body(hid_hbm, posall_hbm, xs_hbm, xb_v, idx_v, sem):
    wid = lax.axis_index("s") * 2 + lax.axis_index("c")
    kid = wid // 16
    for c in range(DP // DSUB):
        pbase = wid * DP + c * DSUB
        tbase = pbase - kid * T
        pltpu.sync_copy(posall_hbm.at[pl.ds(pbase, DSUB)], idx_v)
        pltpu.sync_copy(hid_hbm.at[pl.ds(tbase, DSUB)], xb_v)
        pltpu.async_copy(xb_v, xs_hbm.at[idx_v], sem).wait()



def _expert_body(be_ref, nb_ref, x_ref, w1g_ref, w1u_ref, w2_ref, ws_ref,
                 y_ref, acc_ref):
    j = pl.program_id(0)
    b = pl.program_id(1)

    @pl.when(b < nb_ref[0])
    def _active():
        x = x_ref[...]
        g = lax.dot_general(x, w1g_ref[0], (((1,), (1,)), ((), ())),
                            preferred_element_type=jnp.float32)
        u = lax.dot_general(x, w1u_ref[0], (((1,), (1,)), ((), ())),
                            preferred_element_type=jnp.float32)
        act = g * jax.nn.sigmoid(g) * u
        y = lax.dot_general(act, w2_ref[0], (((1,), (1,)), ((), ())),
                            preferred_element_type=jnp.float32)

        @pl.when(j == 0)
        def _init():
            acc_ref[pl.ds(b * BM, BM), :] = y

        @pl.when(jnp.logical_and(j > 0, j < J - 1))
        def _acc():
            acc_ref[pl.ds(b * BM, BM), :] += y

        @pl.when(j == J - 1)
        def _fin():
            y_ref[...] = (acc_ref[pl.ds(b * BM, BM), :] + y) * ws_ref[...]



def _combine_body(y_hbm, pos0_hbm, pos1_hbm, out_hbm,
                  i0_v, i1_v, y0_v, y1_v, sem):
    wid = lax.axis_index("s") * 2 + lax.axis_index("c")
    for c in range(CT // CSUB):
        base = wid * CT + c * CSUB
        pltpu.sync_copy(pos0_hbm.at[pl.ds(base, CSUB)], i0_v)
        pltpu.sync_copy(pos1_hbm.at[pl.ds(base, CSUB)], i1_v)
        pltpu.async_copy(y_hbm.at[i0_v], y0_v, sem).wait()
        pltpu.async_copy(y_hbm.at[i1_v], y1_v, sem).wait()

        def _row(r, _):
            for q in range(D // 16):
                a = y0_v[r, pl.ds(q * 16, 16)]
                bb = y1_v[r, pl.ds(q * 16, 16)]
                y0_v[r, pl.ds(q * 16, 16)] = a + bb
            return 0

        lax.fori_loop(0, CSUB, _row, 0)
        pltpu.sync_copy(y0_v, out_hbm.at[pl.ds(base, CSUB)])



@jax.jit
def kernel(hidden_states, gate_w, w1, w2):
    pos0c, pos1c, ws, be, nb = pl.pallas_call(
        _router_body,
        out_shape=(
            jax.ShapeDtypeStruct((T, 1), jnp.int32),
            jax.ShapeDtypeStruct((T, 1), jnp.int32),
            jax.ShapeDtypeStruct((NPAD, 1), jnp.float32),
            jax.ShapeDtypeStruct((1, NB), jnp.int32),
            jax.ShapeDtypeStruct((1, 1), jnp.int32),
        ),
    )(hidden_states, gate_w)

    pos0 = pos0c.reshape(T)
    pos1 = pos1c.reshape(T)
    posall = jnp.concatenate([pos0, pos1], axis=0)

    mesh = plsc.VectorSubcoreMesh(core_axis_name="c", subcore_axis_name="s")
    dispatch = functools.partial(
        pl.kernel, mesh=mesh,
        out_type=jax.ShapeDtypeStruct((NPAD, D), jnp.float32),
        scratch_types=[
            pltpu.VMEM((DSUB, D), jnp.float32),
            pltpu.VMEM((DSUB,), jnp.int32),
            pltpu.SemaphoreType.DMA,
        ],
    )(_dispatch_body)
    xs = dispatch(hidden_states, posall)

    grid_spec = pltpu.PrefetchScalarGridSpec(
        num_scalar_prefetch=2,
        grid=(J, NB),
        in_specs=[
            pl.BlockSpec((BM, D), lambda j, b, be, nb: (b, 0)),
            pl.BlockSpec((1, FC, D), lambda j, b, be, nb: (be[b], j, 0)),
            pl.BlockSpec((1, FC, D), lambda j, b, be, nb: (be[b], J + j, 0)),
            pl.BlockSpec((1, D, FC), lambda j, b, be, nb: (be[b], 0, j)),
            pl.BlockSpec((BM, 1), lambda j, b, be, nb: (b, 0)),
        ],
        out_specs=pl.BlockSpec((BM, D), lambda j, b, be, nb: (b, 0)),
        scratch_shapes=[pltpu.VMEM((NPAD, D), jnp.float32)],
    )
    y_sorted = pl.pallas_call(
        _expert_body,
        grid_spec=grid_spec,
        out_shape=jax.ShapeDtypeStruct((NPAD, D), jnp.float32),
        compiler_params=pltpu.CompilerParams(
            dimension_semantics=("arbitrary", "arbitrary")),
    )(be.reshape(NB), nb.reshape(1), xs, w1, w1, w2, ws)

    combine = functools.partial(
        pl.kernel, mesh=mesh,
        out_type=jax.ShapeDtypeStruct((T, D), jnp.float32),
        scratch_types=[
            pltpu.VMEM((CSUB,), jnp.int32),
            pltpu.VMEM((CSUB,), jnp.int32),
            pltpu.VMEM((CSUB, D), jnp.float32),
            pltpu.VMEM((CSUB, D), jnp.float32),
            pltpu.SemaphoreType.DMA,
        ],
    )(_combine_body)
    out = combine(y_sorted, pos0, pos1)
    return xs[:T]

# --- scband reference (transcript-rebuilt; emitter-appended) ---
"""Pipeline reference for scband-generic-moe-layer-53094385713155 (READ-ONLY COPY).

The authoritative reference and input builder live on the scoring server;
editing this copy changes nothing except your own understanding.
"""

import jax, jax.numpy as jnp
import numpy as np

E = 8        # num experts
TOPK = 2     # moe_k
D = 1024     # hidden_size
F = 2048     # inter_size (d_ff)
T = 2048     # num tokens = batch(1) * seq_len(2048)


def setup_inputs(seed: int = 0) -> dict:
    key = jax.random.key(seed)
    k1, k2, k3, k4 = jax.random.split(key, 4)
    hidden_states = jax.random.normal(k1, (T, D), dtype=jnp.float32)
    # router gate weight [E, D]
    gate_w = jax.random.normal(k2, (E, D), dtype=jnp.float32) * 0.02
    # fused w1 (gate proj + up proj merged): [E, 2*F, D]
    w1 = jax.random.normal(k3, (E, 2 * F, D), dtype=jnp.float32) * 0.02
    # down proj w2: [E, D, F]
    w2 = jax.random.normal(k4, (E, D, F), dtype=jnp.float32) * 0.02
    return {"hidden_states": hidden_states, "gate_w": gate_w, "w1": w1, "w2": w2}


def reference(hidden_states, gate_w, w1, w2):
    # router: gate linear -> fp32 softmax -> top-k (SelectTopk) with renormalize (has_moe_norm)
    router_logits = hidden_states @ gate_w.T
    router_logits_fp32 = router_logits.astype(jnp.float32)
    probs = jax.nn.softmax(router_logits_fp32, axis=-1)
    topk_weights, topk_ids = jax.lax.top_k(probs, TOPK)
    topk_weights = topk_weights / jnp.sum(topk_weights, axis=-1, keepdims=True)

    # fused MoE with SiGLU (SwiGLU) activation, fixed-shape masked dispatch
    out = jnp.zeros((T, D), dtype=jnp.float32)
    for e in range(E):
        mask = (topk_ids == e)                      # [T, TOPK], at most one True per row
        w = jnp.sum(jnp.where(mask, topk_weights, 0.0), axis=-1, keepdims=True)  # [T, 1]
        h = hidden_states @ w1[e].T                 # [T, 2F]
        gate_part = h[:, :F]
        up_part = h[:, F:]
        act = jax.nn.silu(gate_part) * up_part      # SiGLU
        y = act @ w2[e].T                           # [T, D]
        out = out + y * w                           # masked combine (w == 0 for unrouted)
    return out

if __name__ == "__main__":
    import jax
    _d = setup_inputs()
    print(jax.jit(kernel)(*tuple(_d.values())))

</pallas_src>

<mosaic_0001>
#map = affine_map<(d0, d1) -> (0, 0)>
#map1 = affine_map<(d0, d1) -> (0)>
module attributes {stable_mosaic.version = 14 : i64} {
  func.func @_dispatch_body(%arg0: i32, %arg1: i32, %arg2: memref<2048x1024xf32, #tpu.memory_space<hbm>>, %arg3: memref<4096xi32, #tpu.memory_space<hbm>>, %arg4: memref<6144x1024xf32, #tpu.memory_space<hbm>>, %arg5: memref<32x1024xf32, #tpu.memory_space<vmem>>, %arg6: memref<32xi32, #tpu.memory_space<vmem>>, %arg7: memref<!tpu.dma_semaphore, #tpu.memory_space<semaphore_mem>>) attributes {dimension_semantics = [#tpu.dimension_semantics<core_parallel>, #tpu.dimension_semantics<subcore_parallel>], iteration_bounds = array<i64: 2, 16>, scalar_prefetch = 0 : i64, scratch_operands = 3 : i64, tpu.core_type = #tpu.core_type<sc_vector_subcore>, window_params = [{transform_indices = #map}, {transform_indices = #map1}, {transform_indices = #map}]} {
    %mul3A = arith.constant 2 : i32
    %mul3A_0 = arith.muli %arg1, %mul3A : i32
    %add3A = arith.addi %mul3A_0, %arg0 : i32
    %jit3A = arith.constant 16 : i32
    %div3A = arith.divsi %add3A, %jit3A : i32
    %sign3A = arith.constant 0 : i32
    %sign3A_1 = arith.cmpi sgt, %add3A, %sign3A : i32
    %sign3A_2 = arith.extui %sign3A_1 : i1 to i32
    %sign3A_3 = arith.constant 0 : i32
    %sign3A_4 = arith.cmpi slt, %add3A, %sign3A_3 : i32
    %sign3A_5 = arith.extui %sign3A_4 : i1 to i32
    %sign3A_6 = arith.subi %sign3A_2, %sign3A_5 : i32
    %sign3A_7 = arith.constant 0 : i32
    %sign3A_8 = arith.cmpi sgt, %jit3A, %sign3A_7 : i32
    %sign3A_9 = arith.extui %sign3A_8 : i1 to i32
    %sign3A_10 = arith.constant 0 : i32
    %sign3A_11 = arith.cmpi slt, %jit3A, %sign3A_10 : i32
    %sign3A_12 = arith.extui %sign3A_11 : i1 to i32
    %sign3A_13 = arith.subi %sign3A_9, %sign3A_12 : i32
    %ne3A = arith.cmpi ne, %sign3A_6, %sign3A_13 : i32
    %rem3A = arith.remsi %add3A, %jit3A : i32
    %ne3A_14 = arith.constant 0 : i32
    %ne3A_15 = arith.cmpi ne, %rem3A, %ne3A_14 : i32
    %and3A = arith.andi %ne3A, %ne3A_15 : i1
    %sub3A = arith.constant 1 : i32
    %sub3A_16 = arith.subi %div3A, %sub3A : i32
    %select_n3A = arith.select %and3A, %sub3A_16, %div3A : i32
    %mul3A_17 = arith.constant 128 : i32
    %mul3A_18 = arith.muli %add3A, %mul3A_17 : i32
    %add3A_19 = arith.constant 0 : i32
    %add3A_20 = arith.addi %mul3A_18, %add3A_19 : i32
    %mul3A_21 = arith.constant 2048 : i32
    %mul3A_22 = arith.muli %select_n3A, %mul3A_21 : i32
    %sub3A_23 = arith.subi %add3A_20, %mul3A_22 : i32
    "tpu.region"() ({
      %run_scoped3A = tpu.sem_alloc : memref<!tpu.dma_semaphore, #tpu.memory_space<semaphore_mem>>
      %dma_start3A_67 = tpu.memref_slice %arg3[%add3A_20] : memref<4096xi32, #tpu.memory_space<hbm>> -> memref<32xi32, #tpu.memory_space<hbm>>
      %dma_start3A_68 = tpu.memref_slice %arg3[%add3A_20] : memref<4096xi32, #tpu.memory_space<hbm>> -> memref<32xi32, #tpu.memory_space<hbm>>
      tpu.enqueue_dma source(%dma_start3A_68 : memref<32xi32, #tpu.memory_space<hbm>>) target(%arg6 : memref<32xi32, #tpu.memory_space<vmem>>) target_semaphore(%run_scoped3A : memref<!tpu.dma_semaphore, #tpu.memory_space<semaphore_mem>>)
      %dma_wait3A_69 = tpu.memref_slice %arg3[%add3A_20] : memref<4096xi32, #tpu.memory_space<hbm>> -> memref<32xi32, #tpu.memory_space<hbm>>
      %dma_wait3A_70 = tpu.memref_slice %arg3[%add3A_20] : memref<4096xi32, #tpu.memory_space<hbm>> -> memref<32xi32, #tpu.memory_space<hbm>>
      tpu.wait_dma2 semaphore(%run_scoped3A : memref<!tpu.dma_semaphore, #tpu.memory_space<semaphore_mem>>) src(%dma_wait3A_70 : memref<32xi32, #tpu.memory_space<hbm>>) dst(%arg6 : memref<32xi32, #tpu.memory_space<vmem>>)
      tpu.yield
    }) : () -> ()
    "tpu.region"() ({
      %run_scoped3A = tpu.sem_alloc : memref<!tpu.dma_semaphore, #tpu.memory_space<semaphore_mem>>
      %dma_start3A_67 = arith.constant 0 : i32
      %dma_start3A_68 = tpu.memref_slice %arg2[%sub3A_23, %dma_start3A_67] : memref<2048x1024xf32, #tpu.memory_space<hbm>> -> memref<32x1024xf32, #tpu.memory_space<hbm>>
      %dma_start3A_69 = arith.constant 0 : i32
      %dma_start3A_70 = tpu.memref_slice %arg2[%sub3A_23, %dma_start3A_69] : memref<2048x1024xf32, #tpu.memory_space<hbm>> -> memref<32x1024xf32, #tpu.memory_space<hbm>>
      tpu.enqueue_dma source(%dma_start3A_70 : memref<32x1024xf32, #tpu.memory_space<hbm>>) target(%arg5 : memref<32x1024xf32, #tpu.memory_space<vmem>>) target_semaphore(%run_scoped3A : memref<!tpu.dma_semaphore, #tpu.memory_space<semaphore_mem>>)
      %dma_wait3A_71 = arith.constant 0 : i32
      %dma_wait3A_72 = tpu.memref_slice %arg2[%sub3A_23, %dma_wait3A_71] : memref<2048x1024xf32, #tpu.memory_space<hbm>> -> memref<32x1024xf32, #tpu.memory_space<hbm>>
      %dma_wait3A_73 = arith.constant 0 : i32
      %dma_wait3A_74 = tpu.memref_slice %arg2[%sub3A_23, %dma_wait3A_73] : memref<2048x1024xf32, #tpu.memory_space<hbm>> -> memref<32x1024xf32, #tpu.memory_space<hbm>>
      tpu.wait_dma2 semaphore(%run_scoped3A : memref<!tpu.dma_semaphore, #tpu.memory_space<semaphore_mem>>) src(%dma_wait3A_74 : memref<32x1024xf32, #tpu.memory_space<hbm>>) dst(%arg5 : memref<32x1024xf32, #tpu.memory_space<vmem>>)
      tpu.yield
    }) : () -> ()
    %dma_start3A = arith.constant 0 : i32
    %dma_start3A_24 = arith.constant 0 : i32
    %dma_start3A_25 = tpu.memref_slice %arg4[%dma_start3A, %dma_start3A_24] : memref<6144x1024xf32, #tpu.memory_space<hbm>> -> memref<6144x1024xf32, #tpu.memory_space<hbm>>
    tpu.enqueue_indirect_dma source(%arg5 : memref<32x1024xf32, #tpu.memory_space<vmem>>) target(%dma_start3A_25 : memref<6144x1024xf32, #tpu.memory_space<hbm>>) offsets(%arg6 : memref<32xi32, #tpu.memory_space<vmem>>) semaphore(%arg7 : memref<!tpu.dma_semaphore, #tpu.memory_space<semaphore_mem>>)
    %dma_wait3A = arith.constant 0 : i32
    %dma_wait3A_26 = arith.constant 0 : i32
    %dma_wait3A_27 = tpu.memref_slice %arg4[%dma_wait3A, %dma_wait3A_26] : memref<6144x1024xf32, #tpu.memory_space<hbm>> -> memref<6144x1024xf32, #tpu.memory_space<hbm>>
    tpu.wait_indirect_dma semaphore(%arg7 : memref<!tpu.dma_semaphore, #tpu.memory_space<semaphore_mem>>) src(%arg5 : memref<32x1024xf32, #tpu.memory_space<vmem>>) dst(%dma_wait3A_27 : memref<6144x1024xf32, #tpu.memory_space<hbm>>)
    %mul3A_28 = arith.constant 128 : i32
    %mul3A_29 = arith.muli %add3A, %mul3A_28 : i32
    %add3A_30 = arith.constant 32 : i32
    %add3A_31 = arith.addi %mul3A_29, %add3A_30 : i32
    %mul3A_32 = arith.constant 2048 : i32
    %mul3A_33 = arith.muli %select_n3A, %mul3A_32 : i32
    %sub3A_34 = arith.subi %add3A_31, %mul3A_33 : i32
    "tpu.region"() ({
      %run_scoped3A = tpu.sem_alloc : memref<!tpu.dma_semaphore, #tpu.memory_space<semaphore_mem>>
      %dma_start3A_67 = tpu.memref_slice %arg3[%add3A_31] : memref<4096xi32, #tpu.memory_space<hbm>> -> memref<32xi32, #tpu.memory_space<hbm>>
      %dma_start3A_68 = tpu.memref_slice %arg3[%add3A_31] : memref<4096xi32, #tpu.memory_space<hbm>> -> memref<32xi32, #tpu.memory_space<hbm>>
      tpu.enqueue_dma source(%dma_start3A_68 : memref<32xi32, #tpu.memory_space<hbm>>) target(%arg6 : memref<32xi32, #tpu.memory_space<vmem>>) target_semaphore(%run_scoped3A : memref<!tpu.dma_semaphore, #tpu.memory_space<semaphore_mem>>)
      %dma_wait3A_69 = tpu.memref_slice %arg3[%add3A_31] : memref<4096xi32, #tpu.memory_space<hbm>> -> memref<32xi32, #tpu.memory_space<hbm>>
      %dma_wait3A_70 = tpu.memref_slice %arg3[%add3A_31] : memref<4096xi32, #tpu.memory_space<hbm>> -> memref<32xi32, #tpu.memory_space<hbm>>
      tpu.wait_dma2 semaphore(%run_scoped3A : memref<!tpu.dma_semaphore, #tpu.memory_space<semaphore_mem>>) src(%dma_wait3A_70 : memref<32xi32, #tpu.memory_space<hbm>>) dst(%arg6 : memref<32xi32, #tpu.memory_space<vmem>>)
      tpu.yield
    }) : () -> ()
    "tpu.region"() ({
      %run_scoped3A = tpu.sem_alloc : memref<!tpu.dma_semaphore, #tpu.memory_space<semaphore_mem>>
      %dma_start3A_67 = arith.constant 0 : i32
      %dma_start3A_68 = tpu.memref_slice %arg2[%sub3A_34, %dma_start3A_67] : memref<2048x1024xf32, #tpu.memory_space<hbm>> -> memref<32x1024xf32, #tpu.memory_space<hbm>>
      %dma_start3A_69 = arith.constant 0 : i32
      %dma_start3A_70 = tpu.memref_slice %arg2[%sub3A_34, %dma_start3A_69] : memref<2048x1024xf32, #tpu.memory_space<hbm>> -> memref<32x1024xf32, #tpu.memory_space<hbm>>
      tpu.enqueue_dma source(%dma_start3A_70 : memref<32x1024xf32, #tpu.memory_space<hbm>>) target(%arg5 : memref<32x1024xf32, #tpu.memory_space<vmem>>) target_semaphore(%run_scoped3A : memref<!tpu.dma_semaphore, #tpu.memory_space<semaphore_mem>>)
      %dma_wait3A_71 = arith.constant 0 : i32
      %dma_wait3A_72 = tpu.memref_slice %arg2[%sub3A_34, %dma_wait3A_71] : memref<2048x1024xf32, #tpu.memory_space<hbm>> -> memref<32x1024xf32, #tpu.memory_space<hbm>>
      %dma_wait3A_73 = arith.constant 0 : i32
      %dma_wait3A_74 = tpu.memref_slice %arg2[%sub3A_34, %dma_wait3A_73] : memref<2048x1024xf32, #tpu.memory_space<hbm>> -> memref<32x1024xf32, #tpu.memory_space<hbm>>
      tpu.wait_dma2 semaphore(%run_scoped3A : memref<!tpu.dma_semaphore, #tpu.memory_space<semaphore_mem>>) src(%dma_wait3A_74 : memref<32x1024xf32, #tpu.memory_space<hbm>>) dst(%arg5 : memref<32x1024xf32, #tpu.memory_space<vmem>>)
      tpu.yield
    }) : () -> ()
    %dma_start3A_35 = arith.constant 0 : i32
    %dma_start3A_36 = arith.constant 0 : i32
    %dma_start3A_37 = tpu.memref_slice %arg4[%dma_start3A_35, %dma_start3A_36] : memref<6144x1024xf32, #tpu.memory_space<hbm>> -> memref<6144x1024xf32, #tpu.memory_space<hbm>>
    tpu.enqueue_indirect_dma source(%arg5 : memref<32x1024xf32, #tpu.memory_space<vmem>>) target(%dma_start3A_37 : memref<6144x1024xf32, #tpu.memory_space<hbm>>) offsets(%arg6 : memref<32xi32, #tpu.memory_space<vmem>>) semaphore(%arg7 : memref<!tpu.dma_semaphore, #tpu.memory_space<semaphore_mem>>)
    %dma_wait3A_38 = arith.constant 0 : i32
    %dma_wait3A_39 = arith.constant 0 : i32
    %dma_wait3A_40 = tpu.memref_slice %arg4[%dma_wait3A_38, %dma_wait3A_39] : memref<6144x1024xf32, #tpu.memory_space<hbm>> -> memref<6144x1024xf32, #tpu.memory_space<hbm>>
    tpu.wait_indirect_dma semaphore(%arg7 : memref<!tpu.dma_semaphore, #tpu.memory_space<semaphore_mem>>) src(%arg5 : memref<32x1024xf32, #tpu.memory_space<vmem>>) dst(%dma_wait3A_40 : memref<6144x1024xf32, #tpu.memory_space<hbm>>)
    %mul3A_41 = arith.constant 128 : i32
    %mul3A_42 = arith.muli %add3A, %mul3A_41 : i32
    %add3A_43 = arith.constant 64 : i32
    %add3A_44 = arith.addi %mul3A_42, %add3A_43 : i32
    %mul3A_45 = arith.constant 2048 : i32
    %mul3A_46 = arith.muli %select_n3A, %mul3A_45 : i32
    %sub3A_47 = arith.subi %add3A_44, %mul3A_46 : i32
    "tpu.region"() ({
      %run_scoped3A = tpu.sem_alloc : memref<!tpu.dma_semaphore, #tpu.memory_space<semaphore_mem>>
      %dma_start3A_67 = tpu.memref_slice %arg3[%add3A_44] : memref<4096xi32, #tpu.memory_space<hbm>> -> memref<32xi32, #tpu.memory_space<hbm>>
      %dma_start3A_68 = tpu.memref_slice %arg3[%add3A_44] : memref<4096xi32, #tpu.memory_space<hbm>> -> memref<32xi32, #tpu.memory_space<hbm>>
      tpu.enqueue_dma source(%dma_start3A_68 : memref<32xi32, #tpu.memory_space<hbm>>) target(%arg6 : memref<32xi32, #tpu.memory_space<vmem>>) target_semaphore(%run_scoped3A : memref<!tpu.dma_semaphore, #tpu.memory_space<semaphore_mem>>)
      %dma_wait3A_69 = tpu.memref_slice %arg3[%add3A_44] : memref<4096xi32, #tpu.memory_space<hbm>> -> memref<32xi32, #tpu.memory_space<hbm>>
      %dma_wait3A_70 = tpu.memref_slice %arg3[%add3A_44] : memref<4096xi32, #tpu.memory_space<hbm>> -> memref<32xi32, #tpu.memory_space<hbm>>
      tpu.wait_dma2 semaphore(%run_scoped3A : memref<!tpu.dma_semaphore, #tpu.memory_space<semaphore_mem>>) src(%dma_wait3A_70 : memref<32xi32, #tpu.memory_space<hbm>>) dst(%arg6 : memref<32xi32, #tpu.memory_space<vmem>>)
      tpu.yield
    }) : () -> ()
    "tpu.region"() ({
      %run_scoped3A = tpu.sem_alloc : memref<!tpu.dma_semaphore, #tpu.memory_space<semaphore_mem>>
      %dma_start3A_67 = arith.constant 0 : i32
      %dma_start3A_68 = tpu.memref_slice %arg2[%sub3A_47, %dma_start3A_67] : memref<2048x1024xf32, #tpu.memory_space<hbm>> -> memref<32x1024xf32, #tpu.memory_space<hbm>>
      %dma_start3A_69 = arith.constant 0 : i32
      %dma_start3A_70 = tpu.memref_slice %arg2[%sub3A_47, %dma_start3A_69] : memref<2048x1024xf32, #tpu.memory_space<hbm>> -> memref<32x1024xf32, #tpu.memory_space<hbm>>
      tpu.enqueue_dma source(%dma_start3A_70 : memref<32x1024xf32, #tpu.memory_space<hbm>>) target(%arg5 : memref<32x1024xf32, #tpu.memory_space<vmem>>) target_semaphore(%run_scoped3A : memref<!tpu.dma_semaphore, #tpu.memory_space<semaphore_mem>>)
      %dma_wait3A_71 = arith.constant 0 : i32
      %dma_wait3A_72 = tpu.memref_slice %arg2[%sub3A_47, %dma_wait3A_71] : memref<2048x1024xf32, #tpu.memory_space<hbm>> -> memref<32x1024xf32, #tpu.memory_space<hbm>>
      %dma_wait3A_73 = arith.constant 0 : i32
      %dma_wait3A_74 = tpu.memref_slice %arg2[%sub3A_47, %dma_wait3A_73] : memref<2048x1024xf32, #tpu.memory_space<hbm>> -> memref<32x1024xf32, #tpu.memory_space<hbm>>
      tpu.wait_dma2 semaphore(%run_scoped3A : memref<!tpu.dma_semaphore, #tpu.memory_space<semaphore_mem>>) src(%dma_wait3A_74 : memref<32x1024xf32, #tpu.memory_space<hbm>>) dst(%arg5 : memref<32x1024xf32, #tpu.memory_space<vmem>>)
      tpu.yield
    }) : () -> ()
    %dma_start3A_48 = arith.constant 0 : i32
    %dma_start3A_49 = arith.constant 0 : i32
    %dma_start3A_50 = tpu.memref_slice %arg4[%dma_start3A_48, %dma_start3A_49] : memref<6144x1024xf32, #tpu.memory_space<hbm>> -> memref<6144x1024xf32, #tpu.memory_space<hbm>>
    tpu.enqueue_indirect_dma source(%arg5 : memref<32x1024xf32, #tpu.memory_space<vmem>>) target(%dma_start3A_50 : memref<6144x1024xf32, #tpu.memory_space<hbm>>) offsets(%arg6 : memref<32xi32, #tpu.memory_space<vmem>>) semaphore(%arg7 : memref<!tpu.dma_semaphore, #tpu.memory_space<semaphore_mem>>)
    %dma_wait3A_51 = arith.constant 0 : i32
    %dma_wait3A_52 = arith.constant 0 : i32
    %dma_wait3A_53 = tpu.memref_slice %arg4[%dma_wait3A_51, %dma_wait3A_52] : memref<6144x1024xf32, #tpu.memory_space<hbm>> -> memref<6144x1024xf32, #tpu.memory_space<hbm>>
    tpu.wait_indirect_dma semaphore(%arg7 : memref<!tpu.dma_semaphore, #tpu.memory_space<semaphore_mem>>) src(%arg5 : memref<32x1024xf32, #tpu.memory_space<vmem>>) dst(%dma_wait3A_53 : memref<6144x1024xf32, #tpu.memory_space<hbm>>)
    %mul3A_54 = arith.constant 128 : i32
    %mul3A_55 = arith.muli %add3A, %mul3A_54 : i32
    %add3A_56 = arith.constant 96 : i32
    %add3A_57 = arith.addi %mul3A_55, %add3A_56 : i32
    %mul3A_58 = arith.constant 2048 : i32
    %mul3A_59 = arith.muli %select_n3A, %mul3A_58 : i32
    %sub3A_60 = arith.subi %add3A_57, %mul3A_59 : i32
    "tpu.region"() ({
      %run_scoped3A = tpu.sem_alloc : memref<!tpu.dma_semaphore, #tpu.memory_space<semaphore_mem>>
      %dma_start3A_67 = tpu.memref_slice %arg3[%add3A_57] : memref<4096xi32, #tpu.memory_space<hbm>> -> memref<32xi32, #tpu.memory_space<hbm>>
      %dma_start3A_68 = tpu.memref_slice %arg3[%add3A_57] : memref<4096xi32, #tpu.memory_space<hbm>> -> memref<32xi32, #tpu.memory_space<hbm>>
      tpu.enqueue_dma source(%dma_start3A_68 : memref<32xi32, #tpu.memory_space<hbm>>) target(%arg6 : memref<32xi32, #tpu.memory_space<vmem>>) target_semaphore(%run_scoped3A : memref<!tpu.dma_semaphore, #tpu.memory_space<semaphore_mem>>)
      %dma_wait3A_69 = tpu.memref_slice %arg3[%add3A_57] : memref<4096xi32, #tpu.memory_space<hbm>> -> memref<32xi32, #tpu.memory_space<hbm>>
      %dma_wait3A_70 = tpu.memref_slice %arg3[%add3A_57] : memref<4096xi32, #tpu.memory_space<hbm>> -> memref<32xi32, #tpu.memory_space<hbm>>
      tpu.wait_dma2 semaphore(%run_scoped3A : memref<!tpu.dma_semaphore, #tpu.memory_space<semaphore_mem>>) src(%dma_wait3A_70 : memref<32xi32, #tpu.memory_space<hbm>>) dst(%arg6 : memref<32xi32, #tpu.memory_space<vmem>>)
      tpu.yield
    }) : () -> ()
    "tpu.region"() ({
      %run_scoped3A = tpu.sem_alloc : memref<!tpu.dma_semaphore, #tpu.memory_space<semaphore_mem>>
      %dma_start3A_67 = arith.constant 0 : i32
      %dma_start3A_68 = tpu.memref_slice %arg2[%sub3A_60, %dma_start3A_67] : memref<2048x1024xf32, #tpu.memory_space<hbm>> -> memref<32x1024xf32, #tpu.memory_space<hbm>>
      %dma_start3A_69 = arith.constant 0 : i32
      %dma_start3A_70 = tpu.memref_slice %arg2[%sub3A_60, %dma_start3A_69] : memref<2048x1024xf32, #tpu.memory_space<hbm>> -> memref<32x1024xf32, #tpu.memory_space<hbm>>
      tpu.enqueue_dma source(%dma_start3A_70 : memref<32x1024xf32, #tpu.memory_space<hbm>>) target(%arg5 : memref<32x1024xf32, #tpu.memory_space<vmem>>) target_semaphore(%run_scoped3A : memref<!tpu.dma_semaphore, #tpu.memory_space<semaphore_mem>>)
      %dma_wait3A_71 = arith.constant 0 : i32
      %dma_wait3A_72 = tpu.memref_slice %arg2[%sub3A_60, %dma_wait3A_71] : memref<2048x1024xf32, #tpu.memory_space<hbm>> -> memref<32x1024xf32, #tpu.memory_space<hbm>>
      %dma_wait3A_73 = arith.constant 0 : i32
      %dma_wait3A_74 = tpu.memref_slice %arg2[%sub3A_60, %dma_wait3A_73] : memref<2048x1024xf32, #tpu.memory_space<hbm>> -> memref<32x1024xf32, #tpu.memory_space<hbm>>
      tpu.wait_dma2 semaphore(%run_scoped3A : memref<!tpu.dma_semaphore, #tpu.memory_space<semaphore_mem>>) src(%dma_wait3A_74 : memref<32x1024xf32, #tpu.memory_space<hbm>>) dst(%arg5 : memref<32x1024xf32, #tpu.memory_space<vmem>>)
      tpu.yield
    }) : () -> ()
    %dma_start3A_61 = arith.constant 0 : i32
    %dma_start3A_62 = arith.constant 0 : i32
    %dma_start3A_63 = tpu.memref_slice %arg4[%dma_start3A_61, %dma_start3A_62] : memref<6144x1024xf32, #tpu.memory_space<hbm>> -> memref<6144x1024xf32, #tpu.memory_space<hbm>>
    tpu.enqueue_indirect_dma source(%arg5 : memref<32x1024xf32, #tpu.memory_space<vmem>>) target(%dma_start3A_63 : memref<6144x1024xf32, #tpu.memory_space<hbm>>) offsets(%arg6 : memref<32xi32, #tpu.memory_space<vmem>>) semaphore(%arg7 : memref<!tpu.dma_semaphore, #tpu.memory_space<semaphore_mem>>)
    %dma_wait3A_64 = arith.constant 0 : i32
    %dma_wait3A_65 = arith.constant 0 : i32
    %dma_wait3A_66 = tpu.memref_slice %arg4[%dma_wait3A_64, %dma_wait3A_65] : memref<6144x1024xf32, #tpu.memory_space<hbm>> -> memref<6144x1024xf32, #tpu.memory_space<hbm>>
    tpu.wait_indirect_dma semaphore(%arg7 : memref<!tpu.dma_semaphore, #tpu.memory_space<semaphore_mem>>) src(%arg5 : memref<32x1024xf32, #tpu.memory_space<vmem>>) dst(%dma_wait3A_66 : memref<6144x1024xf32, #tpu.memory_space<hbm>>)
    return
  }
}

module attributes {stable_mosaic.version = 14 : i64} {
  func.func @_router_body(%arg0: memref<2048x1024xf32, #tpu.memory_space<vmem>>, %arg1: memref<8x1024xf32, #tpu.memory_space<vmem>>, %arg2: memref<2048x1xi32, #tpu.memory_space<vmem>>, %arg3: memref<2048x1xi32, #tpu.memory_space<vmem>>, %arg4: memref<6144x1xf32, #tpu.memory_space<vmem>>, %arg5: memref<1x24xi32, #tpu.memory_space<vmem>>, %arg6: memref<1x1xi32, #tpu.memory_space<vmem>>) attributes {dimension_semantics = [], scalar_prefetch = 0 : i64, scratch_operands = 0 : i64, tpu.core_type = #tpu.core_type<tc>} {
    %get3A = arith.constant 0 : index
    %get3A_0 = arith.constant 0 : index
    %get3A_1 = vector.load %arg0[%get3A, %get3A_0] : memref<2048x1024xf32, #tpu.memory_space<vmem>>, vector<2048x1024xf32>
    %get3A_2 = arith.constant 0 : index
    %get3A_3 = arith.constant 0 : index
    %get3A_4 = vector.load %arg1[%get3A_2, %get3A_3] : memref<8x1024xf32, #tpu.memory_space<vmem>>, vector<8x1024xf32>
    %dot_general3A = arith.constant dense<0.000000e+00> : vector<2048x8xf32>
    %dot_general3A_5 = tpu.matmul %get3A_1, %get3A_4, %dot_general3A {dimension_numbers = #tpu.dot_dimension_numbers<[1], [1], [0], [0], [0, 0, 1, 0], [], []>, transpose_lhs_hint = false} : vector<2048x1024xf32>, vector<8x1024xf32>, vector<2048x8xf32> -> vector<2048x8xf32>
    %reduce_max3A = arith.constant dense<0xFF800000> : vector<2048xf32>
    %reduce_max3A_6 = vector.multi_reduction <maximumf>, %dot_general3A_5, %reduce_max3A [1] : vector<2048x8xf32> to vector<2048xf32>
    %broadcast_in_dim3A = vector.shape_cast %reduce_max3A_6 : vector<2048xf32> to vector<2048x1xf32>
    %sub3A = vector.broadcast %broadcast_in_dim3A : vector<2048x1xf32> to vector<2048x8xf32>
    %sub3A_7 = arith.subf %dot_general3A_5, %sub3A : vector<2048x8xf32>
    %exp3A = math.exp %sub3A_7 : vector<2048x8xf32>
    %reduce_sum3A = arith.constant dense<0.000000e+00> : vector<2048xf32>
    %reduce_sum3A_8 = vector.multi_reduction <add>, %exp3A, %reduce_sum3A [1] : vector<2048x8xf32> to vector<2048xf32>
    %broadcast_in_dim3A_9 = vector.shape_cast %reduce_sum3A_8 : vector<2048xf32> to vector<2048x1xf32>
    %div3A = vector.broadcast %broadcast_in_dim3A_9 : vector<2048x1xf32> to vector<2048x8xf32>
    %div3A_10 = arith.divf %exp3A, %div3A : vector<2048x8xf32>
    %iota3A = tpu.iota {dimensions = array<i32: 1>} : vector<2048x8xi32>
    %reduce_max3A_11 = arith.constant dense<0xFF800000> : vector<2048xf32>
    %reduce_max3A_12 = vector.multi_reduction <maximumf>, %div3A_10, %reduce_max3A_11 [1] : vector<2048x8xf32> to vector<2048xf32>
    %broadcast_in_dim3A_13 = vector.shape_cast %reduce_max3A_12 : vector<2048xf32> to vector<2048x1xf32>
    %eq3A = vector.broadcast %broadcast_in_dim3A_13 : vector<2048x1xf32> to vector<2048x8xf32>
    %eq3A_14 = arith.cmpf oeq, %div3A_10, %eq3A : vector<2048x8xf32>
    %jit3A = arith.constant 8 : i32
    %broadcast_in_dim3A_15 = vector.broadcast %jit3A : i32 to vector<2048x8xi32>
    %select_n3A = arith.select %eq3A_14, %iota3A, %broadcast_in_dim3A_15 : vector<2048x8xi1>, vector<2048x8xi32>
    %reduce_min3A = arith.constant dense<2147483647> : vector<2048xi32>
    %reduce_min3A_16 = vector.multi_reduction <minsi>, %select_n3A, %reduce_min3A [1] : vector<2048x8xi32> to vector<2048xi32>
    %broadcast_in_dim3A_17 = vector.shape_cast %reduce_min3A_16 : vector<2048xi32> to vector<2048x1xi32>
    %eq3A_18 = vector.broadcast %broadcast_in_dim3A_17 : vector<2048x1xi32> to vector<2048x8xi32>
    %eq3A_19 = arith.cmpi eq, %iota3A, %eq3A_18 : vector<2048x8xi32>
    %jit3A_20 = arith.constant -1.000000e+00 : f32
    %broadcast_in_dim3A_21 = vector.broadcast %jit3A_20 : f32 to vector<2048x8xf32>
    %select_n3A_22 = arith.select %eq3A_19, %broadcast_in_dim3A_21, %div3A_10 : vector<2048x8xi1>, vector<2048x8xf32>
    %reduce_max3A_23 = arith.constant dense<0xFF800000> : vector<2048xf32>
    %reduce_max3A_24 = vector.multi_reduction <maximumf>, %select_n3A_22, %reduce_max3A_23 [1] : vector<2048x8xf32> to vector<2048xf32>
    %broadcast_in_dim3A_25 = vector.shape_cast %reduce_max3A_24 : vector<2048xf32> to vector<2048x1xf32>
    %eq3A_26 = vector.broadcast %broadcast_in_dim3A_25 : vector<2048x1xf32> to vector<2048x8xf32>
    %eq3A_27 = arith.cmpf oeq, %select_n3A_22, %eq3A_26 : vector<2048x8xf32>
    %jit3A_28 = arith.constant 8 : i32
    %broadcast_in_dim3A_29 = vector.broadcast %jit3A_28 : i32 to vector<2048x8xi32>
    %select_n3A_30 = arith.select %eq3A_27, %iota3A, %broadcast_in_dim3A_29 : vector<2048x8xi1>, vector<2048x8xi32>
    %reduce_min3A_31 = arith.constant dense<2147483647> : vector<2048xi32>
    %reduce_min3A_32 = vector.multi_reduction <minsi>, %select_n3A_30, %reduce_min3A_31 [1] : vector<2048x8xi32> to vector<2048xi32>
    %broadcast_in_dim3A_33 = vector.shape_cast %reduce_min3A_32 : vector<2048xi32> to vector<2048x1xi32>
    %add3A = arith.addf %broadcast_in_dim3A_13, %broadcast_in_dim3A_25 : vector<2048x1xf32>
    %div3A_34 = arith.divf %broadcast_in_dim3A_13, %add3A : vector<2048x1xf32>
    %div3A_35 = arith.divf %broadcast_in_dim3A_25, %add3A : vector<2048x1xf32>
    %eq3A_36 = vector.broadcast %broadcast_in_dim3A_17 : vector<2048x1xi32> to vector<2048x8xi32>
    %eq3A_37 = arith.cmpi eq, %iota3A, %eq3A_36 : vector<2048x8xi32>
    %convert_element_type3A = arith.extui %eq3A_37 : vector<2048x8xi1> to vector<2048x8xi32>
    %convert_element_type3A_38 = arith.sitofp %convert_element_type3A : vector<2048x8xi32> to vector<2048x8xf32>
    %eq3A_39 = vector.broadcast %broadcast_in_dim3A_33 : vector<2048x1xi32> to vector<2048x8xi32>
    %eq3A_40 = arith.cmpi eq, %iota3A, %eq3A_39 : vector<2048x8xi32>
    %convert_element_type3A_41 = arith.extui %eq3A_40 : vector<2048x8xi1> to vector<2048x8xi32>
    %convert_element_type3A_42 = arith.sitofp %convert_element_type3A_41 : vector<2048x8xi32> to vector<2048x8xf32>
    %iota3A_43 = tpu.iota {dimensions = array<i32: 0>} : vector<2048x2048xi32>
    %iota3A_44 = tpu.iota {dimensions = array<i32: 1>} : vector<2048x2048xi32>
    %lt3A = arith.cmpi slt, %iota3A_44, %iota3A_43 : vector<2048x2048xi32>
    %convert_element_type3A_45 = arith.extui %lt3A : vector<2048x2048xi1> to vector<2048x2048xi32>
    %convert_element_type3A_46 = arith.sitofp %convert_element_type3A_45 : vector<2048x2048xi32> to vector<2048x2048xf32>
    %dot_general3A_47 = arith.constant dense<0.000000e+00> : vector<2048x8xf32>
    %dot_general3A_48 = tpu.matmul %convert_element_type3A_46, %convert_element_type3A_38, %dot_general3A_47 {dimension_numbers = #tpu.dot_dimension_numbers<[1], [0], [0], [1], [0, 0, 1, 1], [], []>, transpose_lhs_hint = false} : vector<2048x2048xf32>, vector<2048x8xf32>, vector<2048x8xf32> -> vector<2048x8xf32>
    %dot_general3A_49 = arith.constant dense<0.000000e+00> : vector<2048x8xf32>
    %dot_general3A_50 = tpu.matmul %convert_element_type3A_46, %convert_element_type3A_42, %dot_general3A_49 {dimension_numbers = #tpu.dot_dimension_numbers<[1], [0], [0], [1], [0, 0, 1, 1], [], []>, transpose_lhs_hint = false} : vector<2048x2048xf32>, vector<2048x8xf32>, vector<2048x8xf32> -> vector<2048x8xf32>
    %reduce_sum3A_51 = arith.constant dense<0.000000e+00> : vector<8xf32>
    %reduce_sum3A_52 = vector.multi_reduction <add>, %convert_element_type3A_38, %reduce_sum3A_51 [0] : vector<2048x8xf32> to vector<8xf32>
    %broadcast_in_dim3A_53 = vector.shape_cast %reduce_sum3A_52 : vector<8xf32> to vector<1x8xf32>
    %reduce_sum3A_54 = arith.constant dense<0.000000e+00> : vector<8xf32>
    %reduce_sum3A_55 = vector.multi_reduction <add>, %convert_element_type3A_42, %reduce_sum3A_54 [0] : vector<2048x8xf32> to vector<8xf32>
    %broadcast_in_dim3A_56 = vector.shape_cast %reduce_sum3A_55 : vector<8xf32> to vector<1x8xf32>
    %add3A_57 = arith.addf %broadcast_in_dim3A_53, %broadcast_in_dim3A_56 : vector<1x8xf32>
    %add3A_58 = arith.constant 2.550000e+02 : f32
    %add3A_59 = vector.broadcast %add3A_58 : f32 to vector<1x8xf32>
    %add3A_60 = arith.addf %add3A_57, %add3A_59 : vector<1x8xf32>
    %mul3A = arith.constant 3.906250e-03 : f32
    %mul3A_61 = vector.broadcast %mul3A : f32 to vector<1x8xf32>
    %mul3A_62 = arith.mulf %add3A_60, %mul3A_61 : vector<1x8xf32>
    %floor3A = math.floor %mul3A_62 : vector<1x8xf32>
    %iota3A_63 = tpu.iota {dimensions = array<i32: 0>} : vector<8x8xi32>
    %iota3A_64 = tpu.iota {dimensions = array<i32: 1>} : vector<8x8xi32>
    %lt3A_65 = arith.cmpi slt, %iota3A_63, %iota3A_64 : vector<8x8xi32>
    %convert_element_type3A_66 = arith.extui %lt3A_65 : vector<8x8xi1> to vector<8x8xi32>
    %convert_element_type3A_67 = arith.sitofp %convert_element_type3A_66 : vector<8x8xi32> to vector<8x8xf32>
    %dot_general3A_68 = arith.constant dense<0.000000e+00> : vector<1x8xf32>
    %dot_general3A_69 = tpu.matmul %floor3A, %convert_element_type3A_67, %dot_general3A_68 {dimension_numbers = #tpu.dot_dimension_numbers<[1], [0], [0], [1], [0, 0, 1, 1], [], []>, transpose_lhs_hint = false} : vector<1x8xf32>, vector<8x8xf32>, vector<1x8xf32> -> vector<1x8xf32>
    %mul3A_70 = arith.constant 2.560000e+02 : f32
    %mul3A_71 = vector.broadcast %mul3A_70 : f32 to vector<1x8xf32>
    %mul3A_72 = arith.mulf %mul3A_71, %dot_general3A_69 : vector<1x8xf32>
    %mul3A_73 = arith.mulf %dot_general3A_48, %convert_element_type3A_38 : vector<2048x8xf32>
    %reduce_sum3A_74 = arith.constant dense<0.000000e+00> : vector<2048xf32>
    %reduce_sum3A_75 = vector.multi_reduction <add>, %mul3A_73, %reduce_sum3A_74 [1] : vector<2048x8xf32> to vector<2048xf32>
    %broadcast_in_dim3A_76 = vector.shape_cast %reduce_sum3A_75 : vector<2048xf32> to vector<2048x1xf32>
    %add3A_77 = vector.broadcast %broadcast_in_dim3A_53 : vector<1x8xf32> to vector<2048x8xf32>
    %add3A_78 = arith.addf %dot_general3A_50, %add3A_77 : vector<2048x8xf32>
    %mul3A_79 = arith.mulf %add3A_78, %convert_element_type3A_42 : vector<2048x8xf32>
    %reduce_sum3A_80 = arith.constant dense<0.000000e+00> : vector<2048xf32>
    %reduce_sum3A_81 = vector.multi_reduction <add>, %mul3A_79, %reduce_sum3A_80 [1] : vector<2048x8xf32> to vector<2048xf32>
    %broadcast_in_dim3A_82 = vector.shape_cast %reduce_sum3A_81 : vector<2048xf32> to vector<2048x1xf32>
    %mul3A_83 = vector.broadcast %mul3A_72 : vector<1x8xf32> to vector<2048x8xf32>
    %mul3A_84 = arith.mulf %mul3A_83, %convert_element_type3A_38 : vector<2048x8xf32>
    %reduce_sum3A_85 = arith.constant dense<0.000000e+00> : vector<2048xf32>
    %reduce_sum3A_86 = vector.multi_reduction <add>, %mul3A_84, %reduce_sum3A_85 [1] : vector<2048x8xf32> to vector<2048xf32>
    %broadcast_in_dim3A_87 = vector.shape_cast %reduce_sum3A_86 : vector<2048xf32> to vector<2048x1xf32>
    %add3A_88 = arith.addf %broadcast_in_dim3A_87, %broadcast_in_dim3A_76 : vector<2048x1xf32>
    %mul3A_89 = vector.broadcast %mul3A_72 : vector<1x8xf32> to vector<2048x8xf32>
    %mul3A_90 = arith.mulf %mul3A_89, %convert_element_type3A_42 : vector<2048x8xf32>
    %reduce_sum3A_91 = arith.constant dense<0.000000e+00> : vector<2048xf32>
    %reduce_sum3A_92 = vector.multi_reduction <add>, %mul3A_90, %reduce_sum3A_91 [1] : vector<2048x8xf32> to vector<2048xf32>
    %broadcast_in_dim3A_93 = vector.shape_cast %reduce_sum3A_92 : vector<2048xf32> to vector<2048x1xf32>
    %add3A_94 = arith.addf %broadcast_in_dim3A_93, %broadcast_in_dim3A_82 : vector<2048x1xf32>
    %convert_element_type3A_95 = arith.fptosi %add3A_88 : vector<2048x1xf32> to vector<2048x1xi32>
    %convert_element_type3A_96 = arith.fptosi %add3A_94 : vector<2048x1xf32> to vector<2048x1xi32>
    %swap3A = arith.constant 0 : index
    %swap3A_97 = arith.constant 0 : index
    %swap3A_98 = vector.load %arg2[%swap3A, %swap3A_97] : memref<2048x1xi32, #tpu.memory_space<vmem>>, vector<2048x1xi32>
    tpu.vector_store %arg2[%swap3A, %swap3A_97], %convert_element_type3A_95 {strides = array<i32>} : memref<2048x1xi32, #tpu.memory_space<vmem>>, vector<2048x1xi32>,
    %swap3A_99 = arith.constant 0 : index
    %swap3A_100 = arith.constant 0 : index
    %swap3A_101 = vector.load %arg3[%swap3A_99, %swap3A_100] : memref<2048x1xi32, #tpu.memory_space<vmem>>, vector<2048x1xi32>
    tpu.vector_store %arg3[%swap3A_99, %swap3A_100], %convert_element_type3A_96 {strides = array<i32>} : memref<2048x1xi32, #tpu.memory_space<vmem>>, vector<2048x1xi32>,
    %iota3A_102 = tpu.iota {dimensions = array<i32: 1>} : vector<2048x1024xi32>
    %add3A_103 = arith.constant 0 : i32
    %add3A_104 = vector.broadcast %add3A_103 : i32 to vector<2048x1024xi32>
    %add3A_105 = arith.addi %iota3A_102, %add3A_104 : vector<2048x1024xi32>
    %eq3A_106 = vector.broadcast %convert_element_type3A_95 : vector<2048x1xi32> to vector<2048x1024xi32>
    %eq3A_107 = arith.cmpi eq, %eq3A_106, %add3A_105 : vector<2048x1024xi32>
    %convert_element_type3A_108 = arith.extui %eq3A_107 : vector<2048x1024xi1> to vector<2048x1024xi32>
    %convert_element_type3A_109 = arith.sitofp %convert_element_type3A_108 : vector<2048x1024xi32> to vector<2048x1024xf32>
    %eq3A_110 = vector.broadcast %convert_element_type3A_96 : vector<2048x1xi32> to vector<2048x1024xi32>
    %eq3A_111 = arith.cmpi eq, %eq3A_110, %add3A_105 : vector<2048x1024xi32>
    %convert_element_type3A_112 = arith.extui %eq3A_111 : vector<2048x1024xi1> to vector<2048x1024xi32>
    %convert_element_type3A_113 = arith.sitofp %convert_element_type3A_112 : vector<2048x1024xi32> to vector<2048x1024xf32>
    %dot_general3A_114 = arith.constant dense<0.000000e+00> : vector<1024x1xf32>
    %dot_general3A_115 = tpu.matmul %convert_element_type3A_109, %div3A_34, %dot_general3A_114 {dimension_numbers = #tpu.dot_dimension_numbers<[0], [0], [1], [1], [0, 1, 1, 1], [], []>, transpose_lhs_hint = false} : vector<2048x1024xf32>, vector<2048x1xf32>, vector<1024x1xf32> -> vector<1024x1xf32>
    %dot_general3A_116 = arith.constant dense<0.000000e+00> : vector<1024x1xf32>
    %dot_general3A_117 = tpu.matmul %convert_element_type3A_113, %div3A_35, %dot_general3A_116 {dimension_numbers = #tpu.dot_dimension_numbers<[0], [0], [1], [1], [0, 1, 1, 1], [], []>, transpose_lhs_hint = false} : vector<2048x1024xf32>, vector<2048x1xf32>, vector<1024x1xf32> -> vector<1024x1xf32>
    %add3A_118 = arith.addf %dot_general3A_115, %dot_general3A_117 : vector<1024x1xf32>
    %iota3A_119 = tpu.iota {dimensions = array<i32: 1>} : vector<2048x1024xi32>
    %add3A_120 = arith.constant 1024 : i32
    %add3A_121 = vector.broadcast %add3A_120 : i32 to vector<2048x1024xi32>
    %add3A_122 = arith.addi %iota3A_119, %add3A_121 : vector<2048x1024xi32>
    %eq3A_123 = vector.broadcast %convert_element_type3A_95 : vector<2048x1xi32> to vector<2048x1024xi32>
    %eq3A_124 = arith.cmpi eq, %eq3A_123, %add3A_122 : vector<2048x1024xi32>
    %convert_element_type3A_125 = arith.extui %eq3A_124 : vector<2048x1024xi1> to vector<2048x1024xi32>
    %convert_element_type3A_126 = arith.sitofp %convert_element_type3A_125 : vector<2048x1024xi32> to vector<2048x1024xf32>
    %eq3A_127 = vector.broadcast %convert_element_type3A_96 : vector<2048x1xi32> to vector<2048x1024xi32>
    %eq3A_128 = arith.cmpi eq, %eq3A_127, %add3A_122 : vector<2048x1024xi32>
    %convert_element_type3A_129 = arith.extui %eq3A_128 : vector<2048x1024xi1> to vector<2048x1024xi32>
    %convert_element_type3A_130 = arith.sitofp %convert_element_type3A_129 : vector<2048x1024xi32> to vector<2048x1024xf32>
    %dot_general3A_131 = arith.constant dense<0.000000e+00> : vector<1024x1xf32>
    %dot_general3A_132 = tpu.matmul %convert_element_type3A_126, %div3A_34, %dot_general3A_131 {dimension_numbers = #tpu.dot_dimension_numbers<[0], [0], [1], [1], [0, 1, 1, 1], [], []>, transpose_lhs_hint = false} : vector<2048x1024xf32>, vector<2048x1xf32>, vector<1024x1xf32> -> vector<1024x1xf32>
    %dot_general3A_133 = arith.constant dense<0.000000e+00> : vector<1024x1xf32>
    %dot_general3A_134 = tpu.matmul %convert_element_type3A_130, %div3A_35, %dot_general3A_133 {dimension_numbers = #tpu.dot_dimension_numbers<[0], [0], [1], [1], [0, 1, 1, 1], [], []>, transpose_lhs_hint = false} : vector<2048x1024xf32>, vector<2048x1xf32>, vector<1024x1xf32> -> vector<1024x1xf32>
    %add3A_135 = arith.addf %dot_general3A_132, %dot_general3A_134 : vector<1024x1xf32>
    %iota3A_136 = tpu.iota {dimensions = array<i32: 1>} : vector<2048x1024xi32>
    %add3A_137 = arith.constant 2048 : i32
    %add3A_138 = vector.broadcast %add3A_137 : i32 to vector<2048x1024xi32>
    %add3A_139 = arith.addi %iota3A_136, %add3A_138 : vector<2048x1024xi32>
    %eq3A_140 = vector.broadcast %convert_element_type3A_95 : vector<2048x1xi32> to vector<2048x1024xi32>
    %eq3A_141 = arith.cmpi eq, %eq3A_140, %add3A_139 : vector<2048x1024xi32>
    %convert_element_type3A_142 = arith.extui %eq3A_141 : vector<2048x1024xi1> to vector<2048x1024xi32>
    %convert_element_type3A_143 = arith.sitofp %convert_element_type3A_142 : vector<2048x1024xi32> to vector<2048x1024xf32>
    %eq3A_144 = vector.broadcast %convert_element_type3A_96 : vector<2048x1xi32> to vector<2048x1024xi32>
    %eq3A_145 = arith.cmpi eq, %eq3A_144, %add3A_139 : vector<2048x1024xi32>
    %convert_element_type3A_146 = arith.extui %eq3A_145 : vector<2048x1024xi1> to vector<2048x1024xi32>
    %convert_element_type3A_147 = arith.sitofp %convert_element_type3A_146 : vector<2048x1024xi32> to vector<2048x1024xf32>
    %dot_general3A_148 = arith.constant dense<0.000000e+00> : vector<1024x1xf32>
    %dot_general3A_149 = tpu.matmul %convert_element_type3A_143, %div3A_34, %dot_general3A_148 {dimension_numbers = #tpu.dot_dimension_numbers<[0], [0], [1], [1], [0, 1, 1, 1], [], []>, transpose_lhs_hint = false} : vector<2048x1024xf32>, vector<2048x1xf32>, vector<1024x1xf32> -> vector<1024x1xf32>
    %dot_general3A_150 = arith.constant dense<0.000000e+00> : vector<1024x1xf32>
    %dot_general3A_151 = tpu.matmul %convert_element_type3A_147, %div3A_35, %dot_general3A_150 {dimension_numbers = #tpu.dot_dimension_numbers<[0], [0], [1], [1], [0, 1, 1, 1], [], []>, transpose_lhs_hint = false} : vector<2048x1024xf32>, vector<2048x1xf32>, vector<1024x1xf32> -> vector<1024x1xf32>
    %add3A_152 = arith.addf %dot_general3A_149, %dot_general3A_151 : vector<1024x1xf32>
    %iota3A_153 = tpu.iota {dimensions = array<i32: 1>} : vector<2048x1024xi32>
    %add3A_154 = arith.constant 3072 : i32
    %add3A_155 = vector.broadcast %add3A_154 : i32 to vector<2048x1024xi32>
    %add3A_156 = arith.addi %iota3A_153, %add3A_155 : vector<2048x1024xi32>
    %eq3A_157 = vector.broadcast %convert_element_type3A_95 : vector<2048x1xi32> to vector<2048x1024xi32>
    %eq3A_158 = arith.cmpi eq, %eq3A_157, %add3A_156 : vector<2048x1024xi32>
    %convert_element_type3A_159 = arith.extui %eq3A_158 : vector<2048x1024xi1> to vector<2048x1024xi32>
    %convert_element_type3A_160 = arith.sitofp %convert_element_type3A_159 : vector<2048x1024xi32> to vector<2048x1024xf32>
    %eq3A_161 = vector.broadcast %convert_element_type3A_96 : vector<2048x1xi32> to vector<2048x1024xi32>
    %eq3A_162 = arith.cmpi eq, %eq3A_161, %add3A_156 : vector<2048x1024xi32>
    %convert_element_type3A_163 = arith.extui %eq3A_162 : vector<2048x1024xi1> to vector<2048x1024xi32>
    %convert_element_type3A_164 = arith.sitofp %convert_element_type3A_163 : vector<2048x1024xi32> to vector<2048x1024xf32>
    %dot_general3A_165 = arith.constant dense<0.000000e+00> : vector<1024x1xf32>
    %dot_general3A_166 = tpu.matmul %convert_element_type3A_160, %div3A_34, %dot_general3A_165 {dimension_numbers = #tpu.dot_dimension_numbers<[0], [0], [1], [1], [0, 1, 1, 1], [], []>, transpose_lhs_hint = false} : vector<2048x1024xf32>, vector<2048x1xf32>, vector<1024x1xf32> -> vector<1024x1xf32>
    %dot_general3A_167 = arith.constant dense<0.000000e+00> : vector<1024x1xf32>
    %dot_general3A_168 = tpu.matmul %convert_element_type3A_164, %div3A_35, %dot_general3A_167 {dimension_numbers = #tpu.dot_dimension_numbers<[0], [0], [1], [1], [0, 1, 1, 1], [], []>, transpose_lhs_hint = false} : vector<2048x1024xf32>, vector<2048x1xf32>, vector<1024x1xf32> -> vector<1024x1xf32>
    %add3A_169 = arith.addf %dot_general3A_166, %dot_general3A_168 : vector<1024x1xf32>
    %iota3A_170 = tpu.iota {dimensions = array<i32: 1>} : vector<2048x1024xi32>
    %add3A_171 = arith.constant 4096 : i32
    %add3A_172 = vector.broadcast %add3A_171 : i32 to vector<2048x1024xi32>
    %add3A_173 = arith.addi %iota3A_170, %add3A_172 : vector<2048x1024xi32>
    %eq3A_174 = vector.broadcast %convert_element_type3A_95 : vector<2048x1xi32> to vector<2048x1024xi32>
    %eq3A_175 = arith.cmpi eq, %eq3A_174, %add3A_173 : vector<2048x1024xi32>
    %convert_element_type3A_176 = arith.extui %eq3A_175 : vector<2048x1024xi1> to vector<2048x1024xi32>
    %convert_element_type3A_177 = arith.sitofp %convert_element_type3A_176 : vector<2048x1024xi32> to vector<2048x1024xf32>
    %eq3A_178 = vector.broadcast %convert_element_type3A_96 : vector<2048x1xi32> to vector<2048x1024xi32>
    %eq3A_179 = arith.cmpi eq, %eq3A_178, %add3A_173 : vector<2048x1024xi32>
    %convert_element_type3A_180 = arith.extui %eq3A_179 : vector<2048x1024xi1> to vector<2048x1024xi32>
    %convert_element_type3A_181 = arith.sitofp %convert_element_type3A_180 : vector<2048x1024xi32> to vector<2048x1024xf32>
    %dot_general3A_182 = arith.constant dense<0.000000e+00> : vector<1024x1xf32>
    %dot_general3A_183 = tpu.matmul %convert_element_type3A_177, %div3A_34, %dot_general3A_182 {dimension_numbers = #tpu.dot_dimension_numbers<[0], [0], [1], [1], [0, 1, 1, 1], [], []>, transpose_lhs_hint = false} : vector<2048x1024xf32>, vector<2048x1xf32>, vector<1024x1xf32> -> vector<1024x1xf32>
    %dot_general3A_184 = arith.constant dense<0.000000e+00> : vector<1024x1xf32>
    %dot_general3A_185 = tpu.matmul %convert_element_type3A_181, %div3A_35, %dot_general3A_184 {dimension_numbers = #tpu.dot_dimension_numbers<[0], [0], [1], [1], [0, 1, 1, 1], [], []>, transpose_lhs_hint = false} : vector<2048x1024xf32>, vector<2048x1xf32>, vector<1024x1xf32> -> vector<1024x1xf32>
    %add3A_186 = arith.addf %dot_general3A_183, %dot_general3A_185 : vector<1024x1xf32>
    %iota3A_187 = tpu.iota {dimensions = array<i32: 1>} : vector<2048x1024xi32>
    %add3A_188 = arith.constant 5120 : i32
    %add3A_189 = vector.broadcast %add3A_188 : i32 to vector<2048x1024xi32>
    %add3A_190 = arith.addi %iota3A_187, %add3A_189 : vector<2048x1024xi32>
    %eq3A_191 = vector.broadcast %convert_element_type3A_95 : vector<2048x1xi32> to vector<2048x1024xi32>
    %eq3A_192 = arith.cmpi eq, %eq3A_191, %add3A_190 : vector<2048x1024xi32>
    %convert_element_type3A_193 = arith.extui %eq3A_192 : vector<2048x1024xi1> to vector<2048x1024xi32>
    %convert_element_type3A_194 = arith.sitofp %convert_element_type3A_193 : vector<2048x1024xi32> to vector<2048x1024xf32>
    %eq3A_195 = vector.broadcast %convert_element_type3A_96 : vector<2048x1xi32> to vector<2048x1024xi32>
    %eq3A_196 = arith.cmpi eq, %eq3A_195, %add3A_190 : vector<2048x1024xi32>
    %convert_element_type3A_197 = arith.extui %eq3A_196 : vector<2048x1024xi1> to vector<2048x1024xi32>
    %convert_element_type3A_198 = arith.sitofp %convert_element_type3A_197 : vector<2048x1024xi32> to vector<2048x1024xf32>
    %dot_general3A_199 = arith.constant dense<0.000000e+00> : vector<1024x1xf32>
    %dot_general3A_200 = tpu.matmul %convert_element_type3A_194, %div3A_34, %dot_general3A_199 {dimension_numbers = #tpu.dot_dimension_numbers<[0], [0], [1], [1], [0, 1, 1, 1], [], []>, transpose_lhs_hint = false} : vector<2048x1024xf32>, vector<2048x1xf32>, vector<1024x1xf32> -> vector<1024x1xf32>
    %dot_general3A_201 = arith.constant dense<0.000000e+00> : vector<1024x1xf32>
    %dot_general3A_202 = tpu.matmul %convert_element_type3A_198, %div3A_35, %dot_general3A_201 {dimension_numbers = #tpu.dot_dimension_numbers<[0], [0], [1], [1], [0, 1, 1, 1], [], []>, transpose_lhs_hint = false} : vector<2048x1024xf32>, vector<2048x1xf32>, vector<1024x1xf32> -> vector<1024x1xf32>
    %add3A_203 = arith.addf %dot_general3A_200, %dot_general3A_202 : vector<1024x1xf32>
    %concatenate3A = tpu.concatenate %add3A_118, %add3A_135, %add3A_152, %add3A_169, %add3A_186, %add3A_203 in 0 : vector<1024x1xf32>, vector<1024x1xf32>, vector<1024x1xf32>, vector<1024x1xf32>, vector<1024x1xf32>, vector<1024x1xf32> -> vector<6144x1xf32>
    %swap3A_204 = arith.constant 0 : index
    %swap3A_205 = arith.constant 0 : index
    %swap3A_206 = vector.load %arg4[%swap3A_204, %swap3A_205] : memref<6144x1xf32, #tpu.memory_space<vmem>>, vector<6144x1xf32>
    tpu.vector_store %arg4[%swap3A_204, %swap3A_205], %concatenate3A {strides = array<i32>} : memref<6144x1xf32, #tpu.memory_space<vmem>>, vector<6144x1xf32>,
    %broadcast_in_dim3A_207 = arith.constant 1.000000e+00 : f32
    %broadcast_in_dim3A_208 = vector.broadcast %broadcast_in_dim3A_207 : f32 to vector<2048x1xf32>
    %add3A_209 = arith.addf %convert_element_type3A_38, %convert_element_type3A_42 : vector<2048x8xf32>
    %dot_general3A_210 = arith.constant dense<0.000000e+00> : vector<8x1xf32>
    %dot_general3A_211 = tpu.matmul %add3A_209, %broadcast_in_dim3A_208, %dot_general3A_210 {dimension_numbers = #tpu.dot_dimension_numbers<[0], [0], [1], [1], [0, 1, 1, 1], [], []>, transpose_lhs_hint = false} : vector<2048x8xf32>, vector<2048x1xf32>, vector<8x1xf32> -> vector<8x1xf32>
    %add3A_212 = arith.constant 2.550000e+02 : f32
    %add3A_213 = vector.broadcast %add3A_212 : f32 to vector<8x1xf32>
    %add3A_214 = arith.addf %dot_general3A_211, %add3A_213 : vector<8x1xf32>
    %mul3A_215 = arith.constant 3.906250e-03 : f32
    %mul3A_216 = vector.broadcast %mul3A_215 : f32 to vector<8x1xf32>
    %mul3A_217 = arith.mulf %add3A_214, %mul3A_216 : vector<8x1xf32>
    %floor3A_218 = math.floor %mul3A_217 : vector<8x1xf32>
    %lt3A_219 = arith.cmpi slt, %iota3A_64, %iota3A_63 : vector<8x8xi32>
    %convert_element_type3A_220 = arith.extui %lt3A_219 : vector<8x8xi1> to vector<8x8xi32>
    %convert_element_type3A_221 = arith.sitofp %convert_element_type3A_220 : vector<8x8xi32> to vector<8x8xf32>
    %dot_general3A_222 = arith.constant dense<0.000000e+00> : vector<8x1xf32>
    %dot_general3A_223 = tpu.matmul %convert_element_type3A_221, %floor3A_218, %dot_general3A_222 {dimension_numbers = #tpu.dot_dimension_numbers<[1], [0], [0], [1], [0, 0, 1, 1], [], []>, transpose_lhs_hint = false} : vector<8x8xf32>, vector<8x1xf32>, vector<8x1xf32> -> vector<8x1xf32>
    %add3A_224 = arith.addf %dot_general3A_223, %floor3A_218 : vector<8x1xf32>
    %iota3A_225 = tpu.iota {dimensions = array<i32: 1>} : vector<8x24xi32>
    %convert_element_type3A_226 = arith.sitofp %iota3A_225 : vector<8x24xi32> to vector<8x24xf32>
    %ge3A = vector.broadcast %add3A_224 : vector<8x1xf32> to vector<8x24xf32>
    %ge3A_227 = arith.cmpf oge, %convert_element_type3A_226, %ge3A : vector<8x24xf32>
    %convert_element_type3A_228 = arith.extui %ge3A_227 : vector<8x24xi1> to vector<8x24xi32>
    %convert_element_type3A_229 = arith.sitofp %convert_element_type3A_228 : vector<8x24xi32> to vector<8x24xf32>
    %reduce_sum3A_230 = arith.constant dense<0.000000e+00> : vector<24xf32>
    %reduce_sum3A_231 = vector.multi_reduction <add>, %convert_element_type3A_229, %reduce_sum3A_230 [0] : vector<8x24xf32> to vector<24xf32>
    %broadcast_in_dim3A_232 = vector.shape_cast %reduce_sum3A_231 : vector<24xf32> to vector<1x24xf32>
    %iota3A_233 = tpu.iota {dimensions = array<i32: 1>} : vector<1x8xi32>
    %convert_element_type3A_234 = arith.sitofp %iota3A_233 : vector<1x8xi32> to vector<1x8xf32>
    %gt3A = arith.constant 0.000000e+00 : f32
    %gt3A_235 = vector.broadcast %gt3A : f32 to vector<1x8xf32>
    %gt3A_236 = arith.cmpf ogt, %floor3A, %gt3A_235 : vector<1x8xf32>
    %jit3A_237 = arith.constant 0.000000e+00 : f32
    %broadcast_in_dim3A_238 = vector.broadcast %jit3A_237 : f32 to vector<1x8xf32>
    %select_n3A_239 = arith.select %gt3A_236, %convert_element_type3A_234, %broadcast_in_dim3A_238 : vector<1x8xi1>, vector<1x8xf32>
    %reduce_max3A_240 = arith.constant dense<0xFF800000> : vector<1xf32>
    %reduce_max3A_241 = vector.multi_reduction <maximumf>, %select_n3A_239, %reduce_max3A_240 [1] : vector<1x8xf32> to vector<1xf32>
    %broadcast_in_dim3A_242 = vector.shape_cast %reduce_max3A_241 : vector<1xf32> to vector<1x1xf32>
    %ge3A_243 = arith.constant 8.000000e+00 : f32
    %ge3A_244 = vector.broadcast %ge3A_243 : f32 to vector<1x24xf32>
    %ge3A_245 = arith.cmpf oge, %broadcast_in_dim3A_232, %ge3A_244 : vector<1x24xf32>
    %broadcast_in_dim3A_246 = vector.shape_cast %broadcast_in_dim3A_242 : vector<1x1xf32> to vector<1x1xf32>
    %broadcast_in_dim3A_247 = vector.broadcast %broadcast_in_dim3A_246 : vector<1x1xf32> to vector<1x24xf32>
    %select_n3A_248 = arith.select %ge3A_245, %broadcast_in_dim3A_247, %broadcast_in_dim3A_232 : vector<1x24xi1>, vector<1x24xf32>
    %convert_element_type3A_249 = arith.fptosi %select_n3A_248 : vector<1x24xf32> to vector<1x24xi32>
    %swap3A_250 = arith.constant 0 : index
    %swap3A_251 = arith.constant 0 : index
    %swap3A_252 = vector.load %arg5[%swap3A_250, %swap3A_251] : memref<1x24xi32, #tpu.memory_space<vmem>>, vector<1x24xi32>
    tpu.vector_store %arg5[%swap3A_250, %swap3A_251], %convert_element_type3A_249 {strides = array<i32>} : memref<1x24xi32, #tpu.memory_space<vmem>>, vector<1x24xi32>,
    %reduce_sum3A_253 = arith.constant dense<0.000000e+00> : vector<1xf32>
    %reduce_sum3A_254 = vector.multi_reduction <add>, %floor3A, %reduce_sum3A_253 [1] : vector<1x8xf32> to vector<1xf32>
    %broadcast_in_dim3A_255 = vector.shape_cast %reduce_sum3A_254 : vector<1xf32> to vector<1x1xf32>
    %convert_element_type3A_256 = arith.fptosi %broadcast_in_dim3A_255 : vector<1x1xf32> to vector<1x1xi32>
    %swap3A_257 = arith.constant 0 : index
    %swap3A_258 = arith.constant 0 : index
    %swap3A_259 = vector.load %arg6[%swap3A_257, %swap3A_258] : memref<1x1xi32, #tpu.memory_space<vmem>>, vector<1x1xi32>
    tpu.vector_store %arg6[%swap3A_257, %swap3A_258], %convert_element_type3A_256 {strides = array<i32>} : memref<1x1xi32, #tpu.memory_space<vmem>>, vector<1x1xi32>,
    return
  }
}

</mosaic_0001>

<sc_bundles>
// kernel: kernel.4.cloned.1.call-start
scs
__scs_entry_jumppad:
0x0: {  	(pc) =	sbr.rel $0x88, $3  }
0x1: {  	(tag) =	ssettag $0x0;
	lr =	simm.s32 $0x1  }
0x2: {  	[smem:$0x3F9D] =	sst lr;
	_ =	strace $0xD0000000  }
0x3: {  	_ = 	snop  }
0x4: {  	_ = 	snop  }
0x5: {  	_ = 	snop  }
0x6: {  	_ = 	snop  }
0x7: {  	_ = 	snop  }
__scs_overlays_trampoline_lowered:
0x8: {  	[smem:$0x3FAC] =	sst s0  }
0x9: {  	[smem:$0x3FAD] =	sst s1  }
0xa: {  	[smem:$0x3FAE] =	sst s2  }
0xb: {  	[smem:$0x3FAF] =	sst s3  }
0xc: {  	[smem:$0x3FB0] =	sst s4  }
0xd: {  	[smem:$0x3FB1] =	sst s5  }
0xe: {  	[smem:$0x3FB2] =	sst s6  }
0xf: {  	[smem:$0x3FB3] =	sst s7  }
0x10: {  	[smem:$0x3FB4] =	sst s8  }
0x11: {  	[smem:$0x3FB5] =	sst s9;
	s0 =	simm.s32 @!p0 $0x0  }
0x12: {  	s1 =	sld [smem:$0x3F9B];
	s0 =	simm.s32 @p0 $0x1  }
0x13: {  	[smem:$0x3FB6] =	sst s0;
	s0 =	simm.s32 @!p1 $0x0  }
0x14: {  	s2 =	sld [smem:$0x3F9A];
	s0 =	simm.s32 @p1 $0x1  }
0x15: {  	[smem:$0x3FB7] =	sst s0;
	s0 =	simm.s32 @!p2 $0x0  }
0x16: {  	s3 =	sld [smem:$0x3FDB];
	s0 =	simm.s32 @p2 $0x1  }
0x17: {  	s4 =	simm.s32 $0x1BF5;
	[smem:$0x3FB9] =	sst s0  }
0x18: {  	s0 =	sld [smem:$0x3F9C];
	_ =	swait.ge [sflag:s4], $0x0  }
0x19: {  	s7 =	sld [smem:$0x3F9D]  }
0x1a: {  	s8 =	sadd.s32 $0xFFFFE003, lr  }
0x1b: {  	s9 =	sadd.s32 $0xFFFFFEF7, lr;
	s5 =	simm.s32 $0xFFFFFFFF;
	p2 =	slt.u32 s8, $0xFFFFF086  }
0x1c: {  	p1 =	slt.u32 s9, $0xF7A;
	s5 =	simm.s32 @!p2 $0x0  }
0x1d: {  	s5 =	simm.s32 @p1 $0x1;
	p0 =	seq.s32 s7, s2  }
0x1e: {  	s7 =	smul.u32 @!p0 $0xF7A, s2;
	p2 =	seq.s32 @!p0 s5, $0x0  }
0x1f: {  	s9 =	smul.u32 $0xF7A, s1;
	s8 =	simm.s32 @!p0 $0x1BF5;
	p2 =	por !p2, p0  }
0x20: {  	[sflag:s8] =	ssyncset.s32 @!p0 $0xFFFFF086;
	s6 =	sadd.s32 @!p0 s3, s7;
	s7 =	simm.s32 @!p0 $0x108  }
0x21: {  	s3 =	sadd.s32 s3, s9;
	s6 =	sadd.s32 @!p0 $0x88, s6;
	s7 =	simm.s32 @p2 $0x1082  }
0x22: {  	[simem:s7], [sflag:s8] =	dma.local @!p0 [hbm:s6], $0xF7A  }
0x23: {  	s9 =	sor.u32 $0xD0000000, s2;
	s6 =	simm.s32 $0x108;
	_ =	swait.ge @!p0 [sflag:s8], $0x0  }
0x24: {  	s3 =	sadd.s32 $0x88, s3;
	s6 =	simm.s32 @!p1 $0x1082;
	[sflag:s4] =	ssyncset.s32 $0xFFFFF086  }
0x25: {  	[simem:s6], [sflag:s4] =	dma.local [hbm:s3], $0xF7A  }
0x26: {  	[smem:$0x3F9D] =	sst s1;
	(tag) =	ssettag s2;
	_ =	strace s9  }
0x27: {  	s1 =	sld [smem:$0x3FAD]  }
0x28: {  	s2 =	sld [smem:$0x3FAE]  }
0x29: {  	s4 =	sld [smem:$0x3FB0]  }
0x2a: {  	p0 =	seq.s32 s5, $0x0;
	s5 =	sld [smem:$0x3FB1]  }
0x2b: {  	s6 =	sld [smem:$0x3FB2]  }
0x2c: {  	s7 =	sld [smem:$0x3FB3]  }
0x2d: {  	s3 =	simm.s32 $0x108;
	s8 =	sld [smem:$0x3FB4]  }
0x2e: {  	s3 =	simm.s32 @!p0 $0x1082;
	s9 =	sld [smem:$0x3FB5]  }
0x2f: {  	lr =	sadd.s32 s0, s3;
	s0 =	sld [smem:$0x3FAC]  }
0x30: {  	s3 =	sld [smem:$0x3FAF]  }
0x31: {  	[smem:$0x3FB8] =	sst s10  }
0x32: {  	s10 =	sld [smem:$0x3FB6];
	_ =	sdelay $0x3  }
0x33: {  	p0 =	seq.s32 s10, $0x1;
	s10 =	sld [smem:$0x3FB8];
	_ =	sdelay $0x3  }
0x34: {  	[smem:$0x3FB8] =	sst s10  }
0x35: {  	s10 =	sld [smem:$0x3FB7];
	_ =	sdelay $0x3  }
0x36: {  	p1 =	seq.s32 s10, $0x1;
	s10 =	sld [smem:$0x3FB8];
	_ =	sdelay $0x3  }
0x37: {  	[smem:$0x3FB8] =	sst s10  }
0x38: {  	s10 =	sld [smem:$0x3FB9]  }
0x39: {  	_ = 	snop;
	(pc) =	sbr.ind lr, $3  }
0x3a: {  	_ = 	snop  }
0x3b: {  	_ = 	snop  }
0x3c: {  	p2 =	seq.s32 s10, $0x1;
	s10 =	sld [smem:$0x3FB8]  }
0x3d: {  	_ =	shalt  }
0x3e: {  	_ =	shalt  }
0x3f: {  	_ =	shalt  }
0x40: {  	_ =	shalt  }
0x41: {  	_ =	shalt  }
0x42: {  	_ =	shalt  }
0x43: {  	_ =	shalt  }
0x44: {  	_ =	shalt  }
0x45: {  	_ =	shalt  }
0x46: {  	_ =	shalt  }
0x47: {  	_ =	shalt  }
0x48: {  	_ =	shalt  }
0x49: {  	_ =	shalt  }
0x4a: {  	_ =	shalt  }
0x4b: {  	_ =	shalt  }
0x4c: {  	_ =	shalt  }
0x4d: {  	_ =	shalt  }
0x4e: {  	_ =	shalt  }
0x4f: {  	_ =	shalt  }
0x50: {  	_ =	shalt  }
0x51: {  	_ =	shalt  }
0x52: {  	_ =	shalt  }
0x53: {  	_ =	shalt  }
0x54: {  	_ =	shalt  }
0x55: {  	_ =	shalt  }
0x56: {  	_ =	shalt  }
0x57: {  	_ =	shalt  }
0x58: {  	_ =	shalt  }
0x59: {  	_ =	shalt  }
0x5a: {  	_ =	shalt  }
0x5b: {  	_ =	shalt  }
0x5c: {  	_ =	shalt  }
0x5d: {  	_ =	shalt  }
0x5e: {  	_ =	shalt  }
0x5f: {  	_ =	shalt  }
0x60: {  	_ =	shalt  }
0x61: {  	_ =	shalt  }
0x62: {  	_ =	shalt  }
0x63: {  	_ =	shalt  }
0x64: {  	_ =	shalt  }
0x65: {  	_ =	shalt  }
0x66: {  	_ =	shalt  }
0x67: {  	_ =	shalt  }
0x68: {  	_ =	shalt  }
0x69: {  	_ =	shalt  }
0x6a: {  	_ =	shalt  }
0x6b: {  	_ =	shalt  }
0x6c: {  	_ =	shalt  }
0x6d: {  	_ =	shalt  }
0x6e: {  	_ =	shalt  }
0x6f: {  	_ =	shalt  }
0x70: {  	_ =	shalt  }
0x71: {  	_ =	shalt  }
0x72: {  	_ =	shalt  }
0x73: {  	_ =	shalt  }
0x74: {  	_ =	shalt  }
0x75: {  	_ =	shalt  }
0x76: {  	_ =	shalt  }
0x77: {  	_ =	shalt  }
0x78: {  	_ =	shalt  }
0x79: {  	_ =	shalt  }
0x7a: {  	_ =	shalt  }
0x7b: {  	_ =	shalt  }
0x7c: {  	_ =	shalt  }
0x7d: {  	_ =	shalt  }
0x7e: {  	_ =	shalt  }
0x7f: {  	_ =	shalt  }
0x80: {  	_ =	shalt  }
0x81: {  	_ =	shalt  }
0x82: {  	_ =	shalt  }
0x83: {  	_ =	shalt  }
0x84: {  	_ =	shalt  }
0x85: {  	_ =	shalt  }
0x86: {  	_ =	shalt  }
0x87: {  	_ =	shalt  }
.Lfunc_end0:
.L_simem_size_0:
called_computation_lowered:
.L_overlay_start_0:
0x88: {  	s2 =	sld [smem:$0x3FD9]  }
0x89: {  	s3 =	sld [smem:$0x3FFE];
	_ =	sdelay $0x1  }
0x8a: {  	s1 =	srdreg.scid  }
0x8b: {  	s0 =	sand.u32 $0x1, s1  }
0x8c: {  	s17 =	sshll.u32 s0, $0xA;
	s2 =	sadd.s32 s3, s2  }
0x8d: {  	s2 =	sadd.s32 s2, s17  }
0x8e: {  	[smem:$0x3FC4] =	sst s2  }
0x8f: {  	_ = 	snop  }
0x90: {  	s2 =	sld [smem:$0x3FC9]  }
0x91: {  	s18 =	sld [smem:$0x3FD0];
	(tm) =	ssettm $0x1  }
0x92: {  	s4 =	sld [smem:$0x3FFB];
	_ =	sdelay $0x3  }
0x93: {  	_ =	strace s4  }
0x94: {  	s4 =	sld [smem:$0x3FFC];
	_ =	sdelay $0x3  }
0x95: {  	_ =	strace s4  }
0x96: {  	s4 =	sld [smem:$0x3FFD];
	_ =	sdelay $0x3  }
0x97: {  	_ =	strace s4  }
0x98: {  	_ =	strace $0x8FFFFFFF  }
0x99: {  	s19 =	sld [smem:$0x3FDB];
	_ =	sdelay $0x1  }
0x9a: {  	s5 =	simm.s32 $_scs_section_size  }
0x9b: {  	s6 =	simm.s32 $_size__tile_overlayer_lowered;
	s7 =	simm.s32 $_tile_overlayer_lowered  }
0x9c: {  	s22 =	simm.s32 $0x1BFF;
	s21 =	sshll.u32 s7, $0x1;
	s4 =	sadd.s32 s5, s19  }
0x9d: {  	s8 =	simm.s32 $0x0;
	s20 =	sshll.u32 s6, $0x1;
	s6 =	sadd.s32 s21, s4  }
0x9e: {  	[timem:s8], [sflag:s22] =	dma.local [hbm:s6], s20  }
0x9f: {  	_ =	swait.ge [sflag:s22], s20  }
0xa0: {  	s5 =	ssub.s32 $0x0, s20;
	[sflag:s22] =	ssyncset.done $0x0  }
0xa1: {  	[sflag:s22] =	ssyncadd.s32 s5;
	_ =	sdelay $0x1  }
0xa2: {  	s23 =	simm.s32 $0x1B8B  }
0xa3: {  	_ =	swait.ge [sflag:s23], $0x1  }
0xa4: {  	[sflag:s23] =	ssyncset.done $0x0  }
0xa5: {  	s25 =	simm.s32 $0x1B8E;
	s24 =	sld [smem:$0x3FFE];
	[sflag:s23] =	ssyncadd.s32 $0xFFFFFFFF  }
0xa6: {  	s26 =	simm.s32 $execute0_lowered;
	[smem:$0x3FD2] =	sst s25  }
0xa7: {  	s6 =	sshll.u32 s26, $0x1;
	_ =	strace $0x80000046;
	[dreg:$0x1] =	wrdreg $0xFFFFFFFF  }
0xa8: {  	s28 =	simm.s32 $_size_execute0_lowered;
	s4 =	sadd.s32 s4, s6;
	[dreg:$0x0] =	wrdreg $0x0  }
0xa9: {  	s6 =	sshll.u32 s28, $0x1;
	[dreg:$0x2] =	wrdreg s4  }
0xaa: {  	[dreg:$0x3] =	wrdreg s6  }
0xab: {  	[dreg:$0x4] =	wrdreg $0xC0  }
0xac: {  	_ =	task [dreg:s8], $0x5FFFF  }
0xad: {  	[dreg:$0x1] =	wrdreg $0xFFFFFFFF  }
0xae: {  	[dreg:$0x0] =	wrdreg $0x60  }
0xaf: {  	[dreg:$0x2] =	wrdreg s2  }
0xb0: {  	[dreg:$0x3] =	wrdreg s18  }
0xb1: {  	[dreg:$0x4] =	wrdreg s24  }
0xb2: {  	[dreg:$0x5] =	wrdreg $0x9  }
0xb3: {  	_ =	task.clear_ibuf [dreg:s8], $0x6FFFF;
	_ =	strace $0x90000046  }
0xb4: {  	s29 =	simm.s32 $0x9;
	_ =	strace $0x80000048  }
0xb5: {  	_ =	swait.ge [sflag:s29], $0x1  }
0xb6: {  	[sflag:s29] =	ssyncadd.s32 $0xFFFFFFFF  }
0xb7: {  	_ =	strace $0x90000048  }
0xb8: {  	_ =	sfence  }
0xb9: {  	s30 =	sld [smem:$0x0];
	_ =	sdelay $0x2  }
0xba: {  	s31 =	sshll.u32 s1, $0xD;
	s1 =	sshrl.u32 s1, $0x2  }
0xbb: {  	s3 =	sand.u32 $0x4000, s31;
	s1 =	sadd.s32 s1, s30  }
0xbc: {  	s0 =	sor.u32 s3, s0;
	s1 =	sshll.u32 s1, $0x11  }
0xbd: {  	s0 =	sor.u32 s1, s0  }
0xbe: {  	s0 =	sadd.s32 $0x8F2B, s0  }
0xbf: {  	[sflag:s0] =	ssyncadd.remote.s32 $0x1  }
0xc0: {  	_ =	sfence.sel $0xFFFF  }
0xc1: {  	[dreg:$0x0] =	wrdreg $0xFFFFFFFF;
	(pc) =	sbr.abs _section_cstart, $3  }
0xc2: {  	[dreg:$0x1] =	wrdreg $0xFFFFFFFF  }
0xc3: {  	_ =	task.clear_ibuf [dreg:s8], $0x2FFFF;
	_ =	strace $0x9FFFFFFF  }
0xc4: {  	(tm) =	ssettm $0x7FFFFFFF  }
0xc5: {  	_ =	shalt  }
tec
execute0_lowered:
.L_overlay_start_1:
0x0: {  	(tag) =	ssettag $0x1  }
0x1: {  	s0 =	rddreg [dreg:$0x0]  }
0x2: {  	s11 =	rddreg [dreg:$0x1]  }
0x3: {  	s2 =	rddreg [dreg:$0x2];
	s3 =	srdreg.scid  }
0x4: {  	s1 =	stileid.u32;
	s16 =	simm.s32 $0x800;
	s17 =	simm.s32 $0x1000  }
0x5: {  	s18 =	simm.s32 $0x1800;
	s19 =	simm.s32 $0x2000;
	s20 =	simm.s32 $0x2800  }
0x6: {  	s21 =	simm.s32 $0x3000;
	s28 =	simm.s32 $0x6000;
	s29 =	simm.s32 $0x6800  }
0x7: {  	s30 =	simm.s32 $0x7000;
	s31 =	simm.s32 $0x7800;
	s4 =	sand.u32 $0x1, s3  }
0x8: {  	s5 =	sshll.u32 s1, $0x1;
	s3 =	simm.s32 $0x0;
	s6 =	sshll.u32 s1, $0x8  }
0x9: {  	s5 =	sor.u32 s4, s5;
	[smem:$0x7FF] =	sst s3;
	s10 =	sand.u32 $0x800, s6  }
0xa: {  	s4 =	ssub.s32 $0x2, s4;
	s9 =	sshll.u32 s5, $0x7;
	_ =	strace $0x80000047  }
0xb: {  	s5 =	sshll.u32 s5, $0x4;
	s7 =	sshrl.u32 s4, $0x1;
	s6 =	ssub.s32 s9, s10  }
0xc: {  	s5 =	sadd.s32 s11, s5;
	s13 =	ssub.s32 s4, s7;
	s23 =	sor.u32 $0x20, s9  }
0xd: {  	s4 =	sadd.s32 $0x100, s2;
	s12 =	sor.u32 $0x40, s9;
	s15 =	sor.u32 $0x60, s9  }
0xe: {  	s6 =	sshll.u32 s6, $0x7;
	[dreg:$0x4] =	wrdreg s5;
	s5 =	sadd.s32 $0x200, s2  }
0xf: {  	s8 =	ssub.s32 s23, s10;
	s7 =	sshrl.u32 s23, $0x3;
	s14 =	ssub.s32 s12, s10  }
0x10: {  	s12 =	sshrl.u32 s12, $0x3;
	s25 =	ssub.s32 s15, s10;
	s26 =	sshrl.u32 s15, $0x3  }
0x11: {  	s13 =	smax.u32 s13, $0x1;
	s15 =	simm.s32 $0x2;
	s23 =	simm.s32 $0x4000  }
0x12: {  	s22 =	sadd.s32 s0, s6;
	s6 =	sadd.s32 $0x300, s2;
	s8 =	sshll.u32 s8, $0x7  }
0x13: {  	s7 =	sadd.s32 s11, s7;
	s9 =	sadd.s32 s11, s12;
	s24 =	sshll.u32 s14, $0x7  }
0x14: {  	s14 =	sshll.u32 s25, $0x7;
	s11 =	sadd.s32 s11, s26;
	s25 =	simm.s32 $0x5000  }
0x15: {  	v2 =	vlaneseq.u32;
	s26 =	simm.s32 $0x5800;
	[dreg:$0x5] =	wrdreg s22;
	s8 =	sadd.s32 s0, s8  }
0x16: {  	vm0 =	vmmov $0xffff;
	v1 =	vshrl.u32 v2, $0x3;
	s10 =	sadd.s32 s0, s24;
	s12 =	sadd.s32 s0, s14;
	s14 =	simm.s32 $0x8000  }
0x17: {  	v0 =	vand.u32 $0x7, v2;
	v2 =	vor.u32 $0x8, v2;
	v1 =	vmul.u32 $0x8, v1;
	s22 =	simm.s32 $0x3800;
	s24 =	simm.s32 $0x4800;
	s0 =	simm.s32 $0x1  }
.LBB2_1:
0x18: {  	s1 =	rddreg [dreg:$0x4]  }
0x19: {  	[tilespmem:s14], [sflag:$0x2] =	stream.linear.gather [hbm4b:s1+s3], $0x20, $0x38;
	[tilespmem:$0x8080] =	vst v63  }
0x1a: {  	_ =	swait.ge [sflag:s15], $0x20  }
0x1b: {  	[sflag:s15] =	ssyncset.done $0x0  }
0x1c: {  	s1 =	rddreg [dreg:$0x5];
	[sflag:s15] =	ssyncadd.s32 $0xFFFFFFE0  }
0x1d: {  	[tilespmem:s3], [sflag:$0x2] =	stream.linear.gather [hbm4b:s1+s3], $0x8000, $0x38;
	[tilespmem:$0x8080] =	vst v63  }
0x1e: {  	_ =	swait.ge [sflag:s15], $0x8000  }
0x1f: {  	[sflag:s15] =	ssyncset.done $0x0  }
0x20: {  	[sflag:s15] =	ssyncadd.s32 $0xFFFF8000  }
0x21: {  	v3 =	vld [tilespmem:$0x8000];
	_ =	sdelay $0x4  }
0x22: {  	v4 =	vshll.u32 v3, $0x3  }
0x23: {  	v3 =	vand.u32 $0x7, v3;
	v4 =	vand.u32 $0xFFFFFFC0, v4  }
0x24: {  	v3 =	vor.u32 v3, v4  }
0x25: {  	v4 =	vperm.xlane v3, v0;
	_ =	sdelay $0x1  }
0x26: {  	v4 =	vadd.s32 v1, v4;
	_ =	sdelay $0x4  }
0x27: {  	[hbm4b:s2+s3] =	stream.indirect_vreg.scatter [tilespmem:s3], [sflag:$0x1], $0x80, v4, vm0, $0xb8;
	[tilespmem:$0x8080] =	vst v63  }
0x28: {  	v3 =	vperm.xlane v3, v2  }
0x29: {  	[hbm4b:s4+s3] =	stream.indirect_vreg.scatter [tilespmem:s16], [sflag:$0x1], $0x80, v4, vm0, $0xb8;
	[tilespmem:$0x8080] =	vst v63  }
0x2a: {  	v3 =	vadd.s32 v1, v3  }
0x2b: {  	[hbm4b:s5+s3] =	stream.indirect_vreg.scatter [tilespmem:s17], [sflag:$0x1], $0x80, v4, vm0, $0xb8;
	[tilespmem:$0x8080] =	vst v63  }
0x2c: {  	_ = 	snop  }
0x2d: {  	[hbm4b:s6+s3] =	stream.indirect_vreg.scatter [tilespmem:s18], [sflag:$0x1], $0x80, v4, vm0, $0xb8;
	[tilespmem:$0x8080] =	vst v63  }
0x2e: {  	_ = 	snop  }
0x2f: {  	[hbm4b:s2+s3] =	stream.indirect_vreg.scatter [tilespmem:s19], [sflag:$0x1], $0x80, v3, vm0, $0xb8;
	[tilespmem:$0x8080] =	vst v63  }
0x30: {  	_ = 	snop  }
0x31: {  	[hbm4b:s4+s3] =	stream.indirect_vreg.scatter [tilespmem:s20], [sflag:$0x1], $0x80, v3, vm0, $0xb8;
	[tilespmem:$0x8080] =	vst v63  }
0x32: {  	_ = 	snop  }
0x33: {  	[hbm4b:s5+s3] =	stream.indirect_vreg.scatter [tilespmem:s21], [sflag:$0x1], $0x80, v3, vm0, $0xb8;
	[tilespmem:$0x8080] =	vst v63  }
0x34: {  	_ = 	snop  }
0x35: {  	[hbm4b:s6+s3] =	stream.indirect_vreg.scatter [tilespmem:s22], [sflag:$0x1], $0x80, v3, vm0, $0xb8;
	[tilespmem:$0x8080] =	vst v63  }
0x36: {  	v3 =	vld [tilespmem:$0x8010];
	_ =	sdelay $0x4  }
0x37: {  	v57 =	vshll.u32 v3, $0x3  }
0x38: {  	v3 =	vand.u32 $0x7, v3;
	v4 =	vand.u32 $0xFFFFFFC0, v57  }
0x39: {  	v3 =	vor.u32 v3, v4  }
0x3a: {  	v4 =	vperm.xlane v3, v0;
	_ =	sdelay $0x1  }
0x3b: {  	v4 =	vadd.s32 v1, v4;
	_ =	sdelay $0x4  }
0x3c: {  	[hbm4b:s2+s3] =	stream.indirect_vreg.scatter [tilespmem:s23], [sflag:$0x1], $0x80, v4, vm0, $0xb8;
	[tilespmem:$0x8080] =	vst v63  }
0x3d: {  	v3 =	vperm.xlane v3, v2  }
0x3e: {  	[hbm4b:s4+s3] =	stream.indirect_vreg.scatter [tilespmem:s24], [sflag:$0x1], $0x80, v4, vm0, $0xb8;
	[tilespmem:$0x8080] =	vst v63  }
0x3f: {  	v3 =	vadd.s32 v1, v3  }
0x40: {  	[hbm4b:s5+s3] =	stream.indirect_vreg.scatter [tilespmem:s25], [sflag:$0x1], $0x80, v4, vm0, $0xb8;
	[tilespmem:$0x8080] =	vst v63  }
0x41: {  	_ = 	snop  }
0x42: {  	[hbm4b:s6+s3] =	stream.indirect_vreg.scatter [tilespmem:s26], [sflag:$0x1], $0x80, v4, vm0, $0xb8;
	[tilespmem:$0x8080] =	vst v63  }
0x43: {  	_ = 	snop  }
0x44: {  	[hbm4b:s2+s3] =	stream.indirect_vreg.scatter [tilespmem:s28], [sflag:$0x1], $0x80, v3, vm0, $0xb8;
	[tilespmem:$0x8080] =	vst v63  }
0x45: {  	_ = 	snop  }
0x46: {  	[hbm4b:s4+s3] =	stream.indirect_vreg.scatter [tilespmem:s29], [sflag:$0x1], $0x80, v3, vm0, $0xb8;
	[tilespmem:$0x8080] =	vst v63  }
0x47: {  	_ = 	snop  }
0x48: {  	[hbm4b:s5+s3] =	stream.indirect_vreg.scatter [tilespmem:s30], [sflag:$0x1], $0x80, v3, vm0, $0xb8;
	[tilespmem:$0x8080] =	vst v63  }
0x49: {  	_ = 	snop  }
0x4a: {  	[hbm4b:s6+s3] =	stream.indirect_vreg.scatter [tilespmem:s31], [sflag:$0x1], $0x80, v3, vm0, $0xb8;
	[tilespmem:$0x8080] =	vst v63  }
0x4b: {  	_ =	swait.ge [sflag:s0], $0x8000  }
0x4c: {  	[sflag:s0] =	ssyncset.done $0x0  }
0x4d: {  	[sflag:s0] =	ssyncadd.s32 $0xFFFF8000  }
0x4e: {  	[tilespmem:s14], [sflag:$0x2] =	stream.linear.gather [hbm4b:s7+s3], $0x20, $0x38;
	[tilespmem:$0x8080] =	vst v63  }
0x4f: {  	_ =	swait.ge [sflag:s15], $0x20  }
0x50: {  	[sflag:s15] =	ssyncset.done $0x0  }
0x51: {  	[sflag:s15] =	ssyncadd.s32 $0xFFFFFFE0  }
0x52: {  	[tilespmem:s3], [sflag:$0x2] =	stream.linear.gather [hbm4b:s8+s3], $0x8000, $0x38;
	[tilespmem:$0x8080] =	vst v63  }
0x53: {  	_ =	swait.ge [sflag:s15], $0x8000  }
0x54: {  	[sflag:s15] =	ssyncset.done $0x0  }
0x55: {  	[sflag:s15] =	ssyncadd.s32 $0xFFFF8000  }
0x56: {  	v3 =	vld [tilespmem:$0x8000];
	_ =	sdelay $0x4  }
0x57: {  	v58 =	vshll.u32 v3, $0x3  }
0x58: {  	v3 =	vand.u32 $0x7, v3;
	v4 =	vand.u32 $0xFFFFFFC0, v58  }
0x59: {  	v3 =	vor.u32 v3, v4  }
0x5a: {  	v4 =	vperm.xlane v3, v0;
	_ =	sdelay $0x1  }
0x5b: {  	v4 =	vadd.s32 v1, v4;
	_ =	sdelay $0x4  }
0x5c: {  	[hbm4b:s2+s3] =	stream.indirect_vreg.scatter [tilespmem:s3], [sflag:$0x1], $0x80, v4, vm0, $0xb8;
	[tilespmem:$0x8080] =	vst v63  }
0x5d: {  	v3 =	vperm.xlane v3, v2  }
0x5e: {  	[hbm4b:s4+s3] =	stream.indirect_vreg.scatter [tilespmem:s16], [sflag:$0x1], $0x80, v4, vm0, $0xb8;
	[tilespmem:$0x8080] =	vst v63  }
0x5f: {  	v3 =	vadd.s32 v1, v3  }
0x60: {  	[hbm4b:s5+s3] =	stream.indirect_vreg.scatter [tilespmem:s17], [sflag:$0x1], $0x80, v4, vm0, $0xb8;
	[tilespmem:$0x8080] =	vst v63  }
0x61: {  	_ = 	snop  }
0x62: {  	[hbm4b:s6+s3] =	stream.indirect_vreg.scatter [tilespmem:s18], [sflag:$0x1], $0x80, v4, vm0, $0xb8;
	[tilespmem:$0x8080] =	vst v63  }
0x63: {  	_ = 	snop  }
0x64: {  	[hbm4b:s2+s3] =	stream.indirect_vreg.scatter [tilespmem:s19], [sflag:$0x1], $0x80, v3, vm0, $0xb8;
	[tilespmem:$0x8080] =	vst v63  }
0x65: {  	_ = 	snop  }
0x66: {  	[hbm4b:s4+s3] =	stream.indirect_vreg.scatter [tilespmem:s20], [sflag:$0x1], $0x80, v3, vm0, $0xb8;
	[tilespmem:$0x8080] =	vst v63  }
0x67: {  	_ = 	snop  }
0x68: {  	[hbm4b:s5+s3] =	stream.indirect_vreg.scatter [tilespmem:s21], [sflag:$0x1], $0x80, v3, vm0, $0xb8;
	[tilespmem:$0x8080] =	vst v63  }
0x69: {  	_ = 	snop  }
0x6a: {  	[hbm4b:s6+s3] =	stream.indirect_vreg.scatter [tilespmem:s22], [sflag:$0x1], $0x80, v3, vm0, $0xb8;
	[tilespmem:$0x8080] =	vst v63  }
0x6b: {  	v3 =	vld [tilespmem:$0x8010];
	_ =	sdelay $0x4  }
0x6c: {  	v59 =	vshll.u32 v3, $0x3  }
0x6d: {  	v3 =	vand.u32 $0x7, v3;
	v4 =	vand.u32 $0xFFFFFFC0, v59  }
0x6e: {  	v3 =	vor.u32 v3, v4  }
0x6f: {  	v4 =	vperm.xlane v3, v0;
	_ =	sdelay $0x1  }
0x70: {  	v4 =	vadd.s32 v1, v4;
	_ =	sdelay $0x4  }
0x71: {  	[hbm4b:s2+s3] =	stream.indirect_vreg.scatter [tilespmem:s23], [sflag:$0x1], $0x80, v4, vm0, $0xb8;
	[tilespmem:$0x8080] =	vst v63  }
0x72: {  	v3 =	vperm.xlane v3, v2  }
0x73: {  	[hbm4b:s4+s3] =	stream.indirect_vreg.scatter [tilespmem:s24], [sflag:$0x1], $0x80, v4, vm0, $0xb8;
	[tilespmem:$0x8080] =	vst v63  }
0x74: {  	v3 =	vadd.s32 v1, v3  }
0x75: {  	[hbm4b:s5+s3] =	stream.indirect_vreg.scatter [tilespmem:s25], [sflag:$0x1], $0x80, v4, vm0, $0xb8;
	[tilespmem:$0x8080] =	vst v63  }
0x76: {  	_ = 	snop  }
0x77: {  	[hbm4b:s6+s3] =	stream.indirect_vreg.scatter [tilespmem:s26], [sflag:$0x1], $0x80, v4, vm0, $0xb8;
	[tilespmem:$0x8080] =	vst v63  }
0x78: {  	_ = 	snop  }
0x79: {  	[hbm4b:s2+s3] =	stream.indirect_vreg.scatter [tilespmem:s28], [sflag:$0x1], $0x80, v3, vm0, $0xb8;
	[tilespmem:$0x8080] =	vst v63  }
0x7a: {  	_ = 	snop  }
0x7b: {  	[hbm4b:s4+s3] =	stream.indirect_vreg.scatter [tilespmem:s29], [sflag:$0x1], $0x80, v3, vm0, $0xb8;
	[tilespmem:$0x8080] =	vst v63  }
0x7c: {  	_ = 	snop  }
0x7d: {  	[hbm4b:s5+s3] =	stream.indirect_vreg.scatter [tilespmem:s30], [sflag:$0x1], $0x80, v3, vm0, $0xb8;
	[tilespmem:$0x8080] =	vst v63  }
0x7e: {  	_ = 	snop  }
0x7f: {  	[hbm4b:s6+s3] =	stream.indirect_vreg.scatter [tilespmem:s31], [sflag:$0x1], $0x80, v3, vm0, $0xb8;
	[tilespmem:$0x8080] =	vst v63  }
0x80: {  	_ =	swait.ge [sflag:s0], $0x8000  }
0x81: {  	[sflag:s0] =	ssyncset.done $0x0  }
0x82: {  	[sflag:s0] =	ssyncadd.s32 $0xFFFF8000  }
0x83: {  	[tilespmem:s14], [sflag:$0x2] =	stream.linear.gather [hbm4b:s9+s3], $0x20, $0x38;
	[tilespmem:$0x8080] =	vst v63  }
0x84: {  	_ =	swait.ge [sflag:s15], $0x20  }
0x85: {  	[sflag:s15] =	ssyncset.done $0x0  }
0x86: {  	[sflag:s15] =	ssyncadd.s32 $0xFFFFFFE0  }
0x87: {  	[tilespmem:s3], [sflag:$0x2] =	stream.linear.gather [hbm4b:s10+s3], $0x8000, $0x38;
	[tilespmem:$0x8080] =	vst v63  }
0x88: {  	_ =	swait.ge [sflag:s15], $0x8000  }
0x89: {  	[sflag:s15] =	ssyncset.done $0x0  }
0x8a: {  	[sflag:s15] =	ssyncadd.s32 $0xFFFF8000  }
0x8b: {  	v3 =	vld [tilespmem:$0x8000];
	_ =	sdelay $0x4  }
0x8c: {  	v60 =	vshll.u32 v3, $0x3  }
0x8d: {  	v3 =	vand.u32 $0x7, v3;
	v4 =	vand.u32 $0xFFFFFFC0, v60  }
0x8e: {  	v3 =	vor.u32 v3, v4  }
0x8f: {  	v4 =	vperm.xlane v3, v0;
	_ =	sdelay $0x1  }
0x90: {  	v4 =	vadd.s32 v1, v4;
	_ =	sdelay $0x4  }
0x91: {  	[hbm4b:s2+s3] =	stream.indirect_vreg.scatter [tilespmem:s3], [sflag:$0x1], $0x80, v4, vm0, $0xb8;
	[tilespmem:$0x8080] =	vst v63  }
0x92: {  	v3 =	vperm.xlane v3, v2  }
0x93: {  	[hbm4b:s4+s3] =	stream.indirect_vreg.scatter [tilespmem:s16], [sflag:$0x1], $0x80, v4, vm0, $0xb8;
	[tilespmem:$0x8080] =	vst v63  }
0x94: {  	v3 =	vadd.s32 v1, v3  }
0x95: {  	[hbm4b:s5+s3] =	stream.indirect_vreg.scatter [tilespmem:s17], [sflag:$0x1], $0x80, v4, vm0, $0xb8;
	[tilespmem:$0x8080] =	vst v63  }
0x96: {  	_ = 	snop  }
0x97: {  	[hbm4b:s6+s3] =	stream.indirect_vreg.scatter [tilespmem:s18], [sflag:$0x1], $0x80, v4, vm0, $0xb8;
	[tilespmem:$0x8080] =	vst v63  }
0x98: {  	_ = 	snop  }
0x99: {  	[hbm4b:s2+s3] =	stream.indirect_vreg.scatter [tilespmem:s19], [sflag:$0x1], $0x80, v3, vm0, $0xb8;
	[tilespmem:$0x8080] =	vst v63  }
0x9a: {  	_ = 	snop  }
0x9b: {  	[hbm4b:s4+s3] =	stream.indirect_vreg.scatter [tilespmem:s20], [sflag:$0x1], $0x80, v3, vm0, $0xb8;
	[tilespmem:$0x8080] =	vst v63  }
0x9c: {  	_ = 	snop  }
0x9d: {  	[hbm4b:s5+s3] =	stream.indirect_vreg.scatter [tilespmem:s21], [sflag:$0x1], $0x80, v3, vm0, $0xb8;
	[tilespmem:$0x8080] =	vst v63  }
0x9e: {  	_ = 	snop  }
0x9f: {  	[hbm4b:s6+s3] =	stream.indirect_vreg.scatter [tilespmem:s22], [sflag:$0x1], $0x80, v3, vm0, $0xb8;
	[tilespmem:$0x8080] =	vst v63  }
0xa0: {  	v3 =	vld [tilespmem:$0x8010];
	_ =	sdelay $0x4  }
0xa1: {  	v61 =	vshll.u32 v3, $0x3  }
0xa2: {  	v3 =	vand.u32 $0x7, v3;
	v4 =	vand.u32 $0xFFFFFFC0, v61  }
0xa3: {  	v3 =	vor.u32 v3, v4  }
0xa4: {  	v4 =	vperm.xlane v3, v0;
	_ =	sdelay $0x1  }
0xa5: {  	v4 =	vadd.s32 v1, v4;
	_ =	sdelay $0x4  }
0xa6: {  	[hbm4b:s2+s3] =	stream.indirect_vreg.scatter [tilespmem:s23], [sflag:$0x1], $0x80, v4, vm0, $0xb8;
	[tilespmem:$0x8080] =	vst v63  }
0xa7: {  	v3 =	vperm.xlane v3, v2  }
0xa8: {  	[hbm4b:s4+s3] =	stream.indirect_vreg.scatter [tilespmem:s24], [sflag:$0x1], $0x80, v4, vm0, $0xb8;
	[tilespmem:$0x8080] =	vst v63  }
0xa9: {  	v3 =	vadd.s32 v1, v3  }
0xaa: {  	[hbm4b:s5+s3] =	stream.indirect_vreg.scatter [tilespmem:s25], [sflag:$0x1], $0x80, v4, vm0, $0xb8;
	[tilespmem:$0x8080] =	vst v63  }
0xab: {  	_ = 	snop  }
0xac: {  	[hbm4b:s6+s3] =	stream.indirect_vreg.scatter [tilespmem:s26], [sflag:$0x1], $0x80, v4, vm0, $0xb8;
	[tilespmem:$0x8080] =	vst v63  }
0xad: {  	_ = 	snop  }
0xae: {  	[hbm4b:s2+s3] =	stream.indirect_vreg.scatter [tilespmem:s28], [sflag:$0x1], $0x80, v3, vm0, $0xb8;
	[tilespmem:$0x8080] =	vst v63  }
0xaf: {  	_ = 	snop  }
0xb0: {  	[hbm4b:s4+s3] =	stream.indirect_vreg.scatter [tilespmem:s29], [sflag:$0x1], $0x80, v3, vm0, $0xb8;
	[tilespmem:$0x8080] =	vst v63  }
0xb1: {  	_ = 	snop  }
0xb2: {  	[hbm4b:s5+s3] =	stream.indirect_vreg.scatter [tilespmem:s30], [sflag:$0x1], $0x80, v3, vm0, $0xb8;
	[tilespmem:$0x8080] =	vst v63  }
0xb3: {  	_ = 	snop  }
0xb4: {  	[hbm4b:s6+s3] =	stream.indirect_vreg.scatter [tilespmem:s31], [sflag:$0x1], $0x80, v3, vm0, $0xb8;
	[tilespmem:$0x8080] =	vst v63  }
0xb5: {  	_ =	swait.ge [sflag:s0], $0x8000  }
0xb6: {  	[sflag:s0] =	ssyncset.done $0x0  }
0xb7: {  	[sflag:s0] =	ssyncadd.s32 $0xFFFF8000  }
0xb8: {  	[tilespmem:s14], [sflag:$0x2] =	stream.linear.gather [hbm4b:s11+s3], $0x20, $0x38;
	[tilespmem:$0x8080] =	vst v63  }
0xb9: {  	_ =	swait.ge [sflag:s15], $0x20  }
0xba: {  	[sflag:s15] =	ssyncset.done $0x0  }
0xbb: {  	[sflag:s15] =	ssyncadd.s32 $0xFFFFFFE0  }
0xbc: {  	[tilespmem:s3], [sflag:$0x2] =	stream.linear.gather [hbm4b:s12+s3], $0x8000, $0x38;
	[tilespmem:$0x8080] =	vst v63  }
0xbd: {  	_ =	swait.ge [sflag:s15], $0x8000  }
0xbe: {  	[sflag:s15] =	ssyncset.done $0x0  }
0xbf: {  	[sflag:s15] =	ssyncadd.s32 $0xFFFF8000  }
0xc0: {  	v3 =	vld [tilespmem:$0x8000];
	_ =	sdelay $0x4  }
0xc1: {  	v62 =	vshll.u32 v3, $0x3  }
0xc2: {  	v3 =	vand.u32 $0x7, v3;
	v4 =	vand.u32 $0xFFFFFFC0, v62  }
0xc3: {  	v3 =	vor.u32 v3, v4  }
0xc4: {  	v4 =	vperm.xlane v3, v0;
	_ =	sdelay $0x1  }
0xc5: {  	v4 =	vadd.s32 v1, v4;
	_ =	sdelay $0x4  }
0xc6: {  	[hbm4b:s2+s3] =	stream.indirect_vreg.scatter [tilespmem:s3], [sflag:$0x1], $0x80, v4, vm0, $0xb8;
	[tilespmem:$0x8080] =	vst v63  }
0xc7: {  	v3 =	vperm.xlane v3, v2  }
0xc8: {  	[hbm4b:s4+s3] =	stream.indirect_vreg.scatter [tilespmem:s16], [sflag:$0x1], $0x80, v4, vm0, $0xb8;
	[tilespmem:$0x8080] =	vst v63  }
0xc9: {  	v3 =	vadd.s32 v1, v3  }
0xca: {  	[hbm4b:s5+s3] =	stream.indirect_vreg.scatter [tilespmem:s17], [sflag:$0x1], $0x80, v4, vm0, $0xb8;
	[tilespmem:$0x8080] =	vst v63  }
0xcb: {  	_ = 	snop  }
0xcc: {  	[hbm4b:s6+s3] =	stream.indirect_vreg.scatter [tilespmem:s18], [sflag:$0x1], $0x80, v4, vm0, $0xb8;
	[tilespmem:$0x8080] =	vst v63  }
0xcd: {  	_ = 	snop  }
0xce: {  	[hbm4b:s2+s3] =	stream.indirect_vreg.scatter [tilespmem:s19], [sflag:$0x1], $0x80, v3, vm0, $0xb8;
	[tilespmem:$0x8080] =	vst v63  }
0xcf: {  	_ = 	snop  }
0xd0: {  	[hbm4b:s4+s3] =	stream.indirect_vreg.scatter [tilespmem:s20], [sflag:$0x1], $0x80, v3, vm0, $0xb8;
	[tilespmem:$0x8080] =	vst v63  }
0xd1: {  	_ = 	snop  }
0xd2: {  	[hbm4b:s5+s3] =	stream.indirect_vreg.scatter [tilespmem:s21], [sflag:$0x1], $0x80, v3, vm0, $0xb8;
	[tilespmem:$0x8080] =	vst v63  }
0xd3: {  	_ = 	snop  }
0xd4: {  	[hbm4b:s6+s3] =	stream.indirect_vreg.scatter [tilespmem:s22], [sflag:$0x1], $0x80, v3, vm0, $0xb8;
	[tilespmem:$0x8080] =	vst v63  }
0xd5: {  	v3 =	vld [tilespmem:$0x8010];
	_ =	sdelay $0x4  }
0xd6: {  	v63 =	vshll.u32 v3, $0x3  }
0xd7: {  	v3 =	vand.u32 $0x7, v3;
	v4 =	vand.u32 $0xFFFFFFC0, v63  }
0xd8: {  	v3 =	vor.u32 v3, v4  }
0xd9: {  	v4 =	vperm.xlane v3, v0;
	_ =	sdelay $0x1  }
0xda: {  	v4 =	vadd.s32 v1, v4;
	_ =	sdelay $0x4  }
0xdb: {  	[hbm4b:s2+s3] =	stream.indirect_vreg.scatter [tilespmem:s23], [sflag:$0x1], $0x80, v4, vm0, $0xb8;
	[tilespmem:$0x8080] =	vst v63  }
0xdc: {  	v3 =	vperm.xlane v3, v2  }
0xdd: {  	[hbm4b:s4+s3] =	stream.indirect_vreg.scatter [tilespmem:s24], [sflag:$0x1], $0x80, v4, vm0, $0xb8;
	[tilespmem:$0x8080] =	vst v63  }
0xde: {  	v3 =	vadd.s32 v1, v3  }
0xdf: {  	[hbm4b:s5+s3] =	stream.indirect_vreg.scatter [tilespmem:s25], [sflag:$0x1], $0x80, v4, vm0, $0xb8;
	[tilespmem:$0x8080] =	vst v63  }
0xe0: {  	_ = 	snop  }
0xe1: {  	[hbm4b:s6+s3] =	stream.indirect_vreg.scatter [tilespmem:s26], [sflag:$0x1], $0x80, v4, vm0, $0xb8;
	[tilespmem:$0x8080] =	vst v63  }
0xe2: {  	_ = 	snop  }
0xe3: {  	[hbm4b:s2+s3] =	stream.indirect_vreg.scatter [tilespmem:s28], [sflag:$0x1], $0x80, v3, vm0, $0xb8;
	[tilespmem:$0x8080] =	vst v63  }
0xe4: {  	_ = 	snop  }
0xe5: {  	[hbm4b:s4+s3] =	stream.indirect_vreg.scatter [tilespmem:s29], [sflag:$0x1], $0x80, v3, vm0, $0xb8;
	[tilespmem:$0x8080] =	vst v63  }
0xe6: {  	p0 =	sne.s32 s13, $0x1  }
0xe7: {  	[hbm4b:s5+s3] =	stream.indirect_vreg.scatter [tilespmem:s30], [sflag:$0x1], $0x80, v3, vm0, $0xb8;
	[tilespmem:$0x8080] =	vst v63  }
.Ltmp0:
0xe8: {  	_ = 	snop;
	(pc) =	sbr.rel @p0 .LBB2_1-.Ltmp0, $4  }
0xe9: {  	[hbm4b:s6+s3] =	stream.indirect_vreg.scatter [tilespmem:s31], [sflag:$0x1], $0x80, v3, vm0, $0xb8;
	[tilespmem:$0x8080] =	vst v63  }
0xea: {  	_ =	swait.ge [sflag:s0], $0x8000  }
0xeb: {  	[sflag:s0] =	ssyncset.done $0x0  }
0xec: {  	s13 =	sadd.s32 $0xFFFFFFFF, s13;
	[sflag:s0] =	ssyncadd.s32 $0xFFFF8000  }
0xed: {  	_ =	sfence.sel $0x180000  }
0xee: {  	[bflag:$0x0] =	sbarrier.arrive $0xFFFF  }
0xef: {  	_ =	strace $0x90000047  }
0xf0: {  	s0 =	stileid.u32;
	[bflag:$0x2] =	sbarrier.arrive $0xFFFF  }
0xf1: {  	p0 =	sne.s32 s0, $0x0;
	s0 =	rddreg [dreg:$0x3]  }
0xf2: {  	s0 =	sadd.s32 @!p0 $0x100000, s0  }
0xf3: {  	[sflag:s0] =	ssyncadd.tile.s32 @!p0 $0x1;
	_ =	shalt  }
.Lfunc_end2:
_tile_overlayer_lowered:
.L_overlay_start_2:
0xf4: {  	(tag) =	ssettag $0x2  }
0xf5: {  	s0 =	rddreg [dreg:$0x0];
	s2 =	stileid.u32  }
0xf6: {  	s1 =	rddreg [dreg:$0x1];
	p0 =	sne.s32 s2, $0x0  }
0xf7: {  	s3 =	rddreg [dreg:$0x2];
	[bflag:$0x3] =	sbarrier.arrive $0xFFFF;
	s2 =	simm.s32 @!p0 $0x1C02  }
0xf8: {  	[timem:s3], [sflag:s2] =	dma.local @!p0 [hbm:s0], s1  }
0xf9: {  	s0 =	simm.s32 @!p0 $0x2  }
0xfa: {  	_ =	swait.ge @!p0 [sflag:s0], s1  }
0xfb: {  	s1 =	ssub.s32 @!p0 $0x0, s1;
	[sflag:s0] =	ssyncset.done @!p0 $0x0  }
0xfc: {  	[sflag:s0] =	ssyncadd.s32 @!p0 s1  }
0xfd: {  	[bflag:$0x3] =	sbarrier.arrive $0xFFFF  }
0xfe: {  	_ =	shalt  }

</sc_bundles>
